<compile_context>
chip_gen: v7x
topology: tpu7x:2x2x1
jax: 0.10.2.dev20260603
libtpu: 0.0.44.dev20260713+nightly
codegen_flags: <defaults>
</compile_context>

<pallas_src>
import functools

import jax
import jax.numpy as jnp
from jax import lax
from jax.experimental import pallas as pl
from jax.experimental.pallas import tpu as pltpu
from jax.experimental.pallas import tpu_sc as plsc

_N_GROUPS = 4
_TOPK_GROUPS = 2
_TOPK = 2
_ROUTE_SCALE = 1.0
_N_EXPERTS = 8
_TILE = 512

_NC = 2
_NS = 16
_NW = _NC * _NS
_L = 16


def _score_kernel(x_ref, w_ref, b_ref, s_ref):
    xb = x_ref[...].astype(jnp.bfloat16)
    wb = w_ref[...].astype(jnp.bfloat16)
    scores_t = jax.lax.dot_general(
        wb, xb, (((1,), (1,)), ((), ())),
        preferred_element_type=jnp.float32)
    s_ref[...] = jax.nn.sigmoid(scores_t) + b_ref[...]


def _route_kernel(tokens, s_hbm, wout_hbm, iout_hbm,
                  sbuf, w1buf, w2buf, i1buf, i2buf):
    per_w = tokens // _NW
    wid = lax.axis_index("s") * _NC + lax.axis_index("c")
    base = wid * per_w
    pltpu.sync_copy(s_hbm.at[:, pl.ds(base, per_w)], sbuf)

    e = _N_EXPERTS
    neg_inf = jnp.full((_L,), -jnp.inf, jnp.float32)
    fzero = jnp.zeros((_L,), jnp.float32)

    def body(j):
        off = j * _L
        s = [sbuf[k, pl.ds(off, _L)] for k in range(e)]

        p = [s[2 * g] + s[2 * g + 1] for g in range(_N_GROUPS)]

        m1 = jnp.maximum(jnp.maximum(p[0], p[1]), jnp.maximum(p[2], p[3]))
        g1 = jnp.full((_L,), _N_GROUPS - 1, jnp.int32)
        for g in range(_N_GROUPS - 2, -1, -1):
            g1 = jnp.where(p[g] == m1, jnp.full((_L,), g, jnp.int32), g1)
        pm = [jnp.where(g1 == jnp.full((_L,), g, jnp.int32), neg_inf, p[g])
              for g in range(_N_GROUPS)]
        m2 = jnp.maximum(jnp.maximum(pm[0], pm[1]), jnp.maximum(pm[2], pm[3]))
        g2 = jnp.full((_L,), _N_GROUPS - 1, jnp.int32)
        for g in range(_N_GROUPS - 2, -1, -1):
            g2 = jnp.where(pm[g] == m2, jnp.full((_L,), g, jnp.int32), g2)

        sm = []
        for k in range(e):
            gk = jnp.full((_L,), k // (e // _N_GROUPS), jnp.int32)
            sel = (g1 == gk) | (g2 == gk)
            sm.append(jnp.where(sel, s[k], fzero))

        m1e = sm[0]
        for k in range(1, e):
            m1e = jnp.maximum(m1e, sm[k])
        i1 = jnp.full((_L,), e - 1, jnp.int32)
        for k in range(e - 2, -1, -1):
            i1 = jnp.where(sm[k] == m1e, jnp.full((_L,), k, jnp.int32), i1)
        sm2 = [jnp.where(i1 == jnp.full((_L,), k, jnp.int32), neg_inf, sm[k])
               for k in range(e)]
        m2e = sm2[0]
        for k in range(1, e):
            m2e = jnp.maximum(m2e, sm2[k])
        i2 = jnp.full((_L,), e - 1, jnp.int32)
        for k in range(e - 2, -1, -1):
            i2 = jnp.where(sm2[k] == m2e, jnp.full((_L,), k, jnp.int32), i2)

        w1 = s[e - 1]
        w2 = s[e - 1]
        for k in range(e - 2, -1, -1):
            ik = jnp.full((_L,), k, jnp.int32)
            w1 = jnp.where(i1 == ik, s[k], w1)
            w2 = jnp.where(i2 == ik, s[k], w2)
        denom = w1 + w2
        scale = jnp.full((_L,), _ROUTE_SCALE, jnp.float32)
        w1buf[pl.ds(off, _L)] = w1 / denom * scale
        w2buf[pl.ds(off, _L)] = w2 / denom * scale
        i1buf[pl.ds(off, _L)] = i1
        i2buf[pl.ds(off, _L)] = i2

    plsc.parallel_loop(0, per_w // _L, 1, unroll=4)(body)
    pltpu.sync_copy(w1buf, wout_hbm.at[0, pl.ds(base, per_w)])
    pltpu.sync_copy(w2buf, wout_hbm.at[1, pl.ds(base, per_w)])
    pltpu.sync_copy(i1buf, iout_hbm.at[0, pl.ds(base, per_w)])
    pltpu.sync_copy(i2buf, iout_hbm.at[1, pl.ds(base, per_w)])


@jax.jit
def kernel(x, weight, bias):
    tokens, dim = x.shape
    e = weight.shape[0]
    scores_t = pl.pallas_call(
        _score_kernel,
        grid=(tokens // _TILE,),
        in_specs=[
            pl.BlockSpec((_TILE, dim), lambda i: (i, 0)),
            pl.BlockSpec((e, dim), lambda i: (0, 0)),
            pl.BlockSpec((e, 1), lambda i: (0, 0)),
        ],
        out_specs=pl.BlockSpec((e, _TILE), lambda i: (0, i)),
        out_shape=jax.ShapeDtypeStruct((e, tokens), jnp.float32),
    )(x, weight, bias.reshape(e, 1))

    per_w = tokens // _NW
    mesh = plsc.VectorSubcoreMesh(core_axis_name="c", subcore_axis_name="s")
    route = pl.kernel(
        functools.partial(_route_kernel, tokens),
        out_type=[
            jax.ShapeDtypeStruct((_TOPK, tokens), jnp.float32),
            jax.ShapeDtypeStruct((_TOPK, tokens), jnp.int32),
        ],
        mesh=mesh,
        scratch_types=[
            pltpu.VMEM((e, per_w), jnp.float32),
            pltpu.VMEM((per_w,), jnp.float32),
            pltpu.VMEM((per_w,), jnp.float32),
            pltpu.VMEM((per_w,), jnp.int32),
            pltpu.VMEM((per_w,), jnp.int32),
        ],
    )
    wout_t, iout_t = route(scores_t)
    return wout_t.T.astype(x.dtype), iout_t.T

# --- scband reference (transcript-rebuilt; emitter-appended) ---
"""Pipeline reference for scband-gate-81209241633270 (READ-ONLY COPY).

The authoritative reference and input builder live on the scoring server;
editing this copy changes nothing except your own understanding.
"""

import jax, jax.numpy as jnp
import numpy as np

N_GROUPS = 4
TOPK_GROUPS = 2
TOPK = 2
ROUTE_SCALE = 1.0
N_EXPERTS = 8
DIM = 4096
TOKENS = 16384


def setup_inputs(seed: int = 0) -> dict:
    key = jax.random.key(seed)
    k1, k2, k3 = jax.random.split(key, 3)
    x = jax.random.normal(k1, (TOKENS, DIM), dtype=jnp.float32)
    weight = jax.random.normal(k2, (N_EXPERTS, DIM), dtype=jnp.float32) * 0.02
    bias = jax.random.normal(k3, (N_EXPERTS,), dtype=jnp.float32) * 0.01
    return {"x": x, "weight": weight, "bias": bias}


def reference(x, weight, bias):
    # scores = F.linear(x, weight).sigmoid()
    scores = jax.nn.sigmoid(x @ weight.T)
    # NOTE: torch snippet does `scores += self.bias` IN-PLACE, so original_scores
    # aliases the biased tensor. We replicate that aliasing faithfully.
    scores = scores + bias
    original_scores = scores
    T = x.shape[0]
    # calc_group_score
    s = scores.reshape(T, N_GROUPS, -1)
    group_scores = jnp.sum(jax.lax.top_k(s, 2)[0], axis=-1)  # [T, n_groups]
    gidx = jax.lax.top_k(group_scores, TOPK_GROUPS)[1]        # [T, topk_groups]
    mask = jnp.zeros((T, N_GROUPS), dtype=s.dtype).at[jnp.arange(T)[:, None], gidx].set(1.0)
    s = (s * mask[:, :, None]).reshape(T, -1)
    # top-k expert selection
    indices = jax.lax.top_k(s, TOPK)[1]                       # [T, topk]
    weights = jnp.take_along_axis(original_scores, indices, axis=1)
    weights = weights / jnp.sum(weights, axis=-1, keepdims=True)
    weights = weights * ROUTE_SCALE
    return weights.astype(x.dtype), indices

if __name__ == "__main__":
    import jax
    _d = setup_inputs()
    print(jax.jit(kernel)(*tuple(_d.values())))

</pallas_src>

<mosaic_0001>
#map = affine_map<(d0, d1) -> (0, 0)>
module attributes {stable_mosaic.version = 14 : i64} {
  func.func @_route_kernel(%arg0: i32, %arg1: i32, %arg2: memref<8x16384xf32, #tpu.memory_space<hbm>>, %arg3: memref<2x16384xf32, #tpu.memory_space<hbm>>, %arg4: memref<2x16384xi32, #tpu.memory_space<hbm>>, %arg5: memref<8x512xf32, #tpu.memory_space<vmem>>, %arg6: memref<512xf32, #tpu.memory_space<vmem>>, %arg7: memref<512xf32, #tpu.memory_space<vmem>>, %arg8: memref<512xi32, #tpu.memory_space<vmem>>, %arg9: memref<512xi32, #tpu.memory_space<vmem>>) attributes {dimension_semantics = [#tpu.dimension_semantics<core_parallel>, #tpu.dimension_semantics<subcore_parallel>], iteration_bounds = array<i64: 2, 16>, scalar_prefetch = 0 : i64, scratch_operands = 5 : i64, tpu.core_type = #tpu.core_type<sc_vector_subcore>, window_params = [{transform_indices = #map}, {transform_indices = #map}, {transform_indices = #map}]} {
    %mul3A = arith.constant 2 : i32
    %mul3A_0 = arith.muli %arg1, %mul3A : i32
    %add3A = arith.addi %mul3A_0, %arg0 : i32
    %mul3A_1 = arith.constant 512 : i32
    %mul3A_2 = arith.muli %add3A, %mul3A_1 : i32
    "tpu.region"() ({
      %run_scoped3A_11 = tpu.sem_alloc : memref<!tpu.dma_semaphore, #tpu.memory_space<semaphore_mem>>
      %dma_start3A = arith.constant 0 : i32
      %dma_start3A_12 = tpu.memref_slice %arg2[%dma_start3A, %mul3A_2] : memref<8x16384xf32, #tpu.memory_space<hbm>> -> memref<8x512xf32, #tpu.memory_space<hbm>>
      %dma_start3A_13 = arith.constant 0 : i32
      %dma_start3A_14 = tpu.memref_slice %arg2[%dma_start3A_13, %mul3A_2] : memref<8x16384xf32, #tpu.memory_space<hbm>> -> memref<8x512xf32, #tpu.memory_space<hbm>>
      tpu.enqueue_dma source(%dma_start3A_14 : memref<8x512xf32, #tpu.memory_space<hbm>>) target(%arg5 : memref<8x512xf32, #tpu.memory_space<vmem>>) target_semaphore(%run_scoped3A_11 : memref<!tpu.dma_semaphore, #tpu.memory_space<semaphore_mem>>)
      %dma_wait3A = arith.constant 0 : i32
      %dma_wait3A_15 = tpu.memref_slice %arg2[%dma_wait3A, %mul3A_2] : memref<8x16384xf32, #tpu.memory_space<hbm>> -> memref<8x512xf32, #tpu.memory_space<hbm>>
      %dma_wait3A_16 = arith.constant 0 : i32
      %dma_wait3A_17 = tpu.memref_slice %arg2[%dma_wait3A_16, %mul3A_2] : memref<8x16384xf32, #tpu.memory_space<hbm>> -> memref<8x512xf32, #tpu.memory_space<hbm>>
      tpu.wait_dma2 semaphore(%run_scoped3A_11 : memref<!tpu.dma_semaphore, #tpu.memory_space<semaphore_mem>>) src(%dma_wait3A_17 : memref<8x512xf32, #tpu.memory_space<hbm>>) dst(%arg5 : memref<8x512xf32, #tpu.memory_space<vmem>>)
      tpu.yield
    }) : () -> ()
    %broadcast_in_dim3A = arith.constant 0xFF800000 : f32
    %broadcast_in_dim3A_3 = vector.broadcast %broadcast_in_dim3A : f32 to vector<16xf32>
    %broadcast_in_dim3A_4 = arith.constant 0.000000e+00 : f32
    %broadcast_in_dim3A_5 = vector.broadcast %broadcast_in_dim3A_4 : f32 to vector<16xf32>
    %parallel_loop3A = arith.constant 0 : i32
    %parallel_loop3A_6 = arith.constant 32 : i32
    %parallel_loop3A_7 = arith.constant 1 : i32
    scf.for %parallel_loop3A_11 = %parallel_loop3A to %parallel_loop3A_6 step %parallel_loop3A_7  : i32 {
      %parallel_loop3A_12 = arith.constant 16 : i32
      %parallel_loop3A_13 = arith.muli %parallel_loop3A_11, %parallel_loop3A_12 : i32
      %parallel_loop3A_14 = arith.constant 0 : i32
      %parallel_loop3A_15 = arith.index_cast %parallel_loop3A_14 : i32 to index
      %parallel_loop3A_16 = arith.index_cast %parallel_loop3A_13 : i32 to index
      %parallel_loop3A_17 = tpu.vector_load %arg5[%parallel_loop3A_15, %parallel_loop3A_16] {strides = array<i32>} : memref<8x512xf32, #tpu.memory_space<vmem>>, vector<1x16xf32>,
      %parallel_loop3A_18 = vector.shape_cast %parallel_loop3A_17 : vector<1x16xf32> to vector<16xf32>
      %parallel_loop3A_19 = arith.constant 1 : i32
      %parallel_loop3A_20 = arith.index_cast %parallel_loop3A_19 : i32 to index
      %parallel_loop3A_21 = arith.index_cast %parallel_loop3A_13 : i32 to index
      %parallel_loop3A_22 = tpu.vector_load %arg5[%parallel_loop3A_20, %parallel_loop3A_21] {strides = array<i32>} : memref<8x512xf32, #tpu.memory_space<vmem>>, vector<1x16xf32>,
      %parallel_loop3A_23 = vector.shape_cast %parallel_loop3A_22 : vector<1x16xf32> to vector<16xf32>
      %parallel_loop3A_24 = arith.constant 2 : i32
      %parallel_loop3A_25 = arith.index_cast %parallel_loop3A_24 : i32 to index
      %parallel_loop3A_26 = arith.index_cast %parallel_loop3A_13 : i32 to index
      %parallel_loop3A_27 = tpu.vector_load %arg5[%parallel_loop3A_25, %parallel_loop3A_26] {strides = array<i32>} : memref<8x512xf32, #tpu.memory_space<vmem>>, vector<1x16xf32>,
      %parallel_loop3A_28 = vector.shape_cast %parallel_loop3A_27 : vector<1x16xf32> to vector<16xf32>
      %parallel_loop3A_29 = arith.constant 3 : i32
      %parallel_loop3A_30 = arith.index_cast %parallel_loop3A_29 : i32 to index
      %parallel_loop3A_31 = arith.index_cast %parallel_loop3A_13 : i32 to index
      %parallel_loop3A_32 = tpu.vector_load %arg5[%parallel_loop3A_30, %parallel_loop3A_31] {strides = array<i32>} : memref<8x512xf32, #tpu.memory_space<vmem>>, vector<1x16xf32>,
      %parallel_loop3A_33 = vector.shape_cast %parallel_loop3A_32 : vector<1x16xf32> to vector<16xf32>
      %parallel_loop3A_34 = arith.constant 4 : i32
      %parallel_loop3A_35 = arith.index_cast %parallel_loop3A_34 : i32 to index
      %parallel_loop3A_36 = arith.index_cast %parallel_loop3A_13 : i32 to index
      %parallel_loop3A_37 = tpu.vector_load %arg5[%parallel_loop3A_35, %parallel_loop3A_36] {strides = array<i32>} : memref<8x512xf32, #tpu.memory_space<vmem>>, vector<1x16xf32>,
      %parallel_loop3A_38 = vector.shape_cast %parallel_loop3A_37 : vector<1x16xf32> to vector<16xf32>
      %parallel_loop3A_39 = arith.constant 5 : i32
      %parallel_loop3A_40 = arith.index_cast %parallel_loop3A_39 : i32 to index
      %parallel_loop3A_41 = arith.index_cast %parallel_loop3A_13 : i32 to index
      %parallel_loop3A_42 = tpu.vector_load %arg5[%parallel_loop3A_40, %parallel_loop3A_41] {strides = array<i32>} : memref<8x512xf32, #tpu.memory_space<vmem>>, vector<1x16xf32>,
      %parallel_loop3A_43 = vector.shape_cast %parallel_loop3A_42 : vector<1x16xf32> to vector<16xf32>
      %parallel_loop3A_44 = arith.constant 6 : i32
      %parallel_loop3A_45 = arith.index_cast %parallel_loop3A_44 : i32 to index
      %parallel_loop3A_46 = arith.index_cast %parallel_loop3A_13 : i32 to index
      %parallel_loop3A_47 = tpu.vector_load %arg5[%parallel_loop3A_45, %parallel_loop3A_46] {strides = array<i32>} : memref<8x512xf32, #tpu.memory_space<vmem>>, vector<1x16xf32>,
      %parallel_loop3A_48 = vector.shape_cast %parallel_loop3A_47 : vector<1x16xf32> to vector<16xf32>
      %parallel_loop3A_49 = arith.constant 7 : i32
      %parallel_loop3A_50 = arith.index_cast %parallel_loop3A_49 : i32 to index
      %parallel_loop3A_51 = arith.index_cast %parallel_loop3A_13 : i32 to index
      %parallel_loop3A_52 = tpu.vector_load %arg5[%parallel_loop3A_50, %parallel_loop3A_51] {strides = array<i32>} : memref<8x512xf32, #tpu.memory_space<vmem>>, vector<1x16xf32>,
      %parallel_loop3A_53 = vector.shape_cast %parallel_loop3A_52 : vector<1x16xf32> to vector<16xf32>
      %parallel_loop3A_54 = arith.addf %parallel_loop3A_18, %parallel_loop3A_23 : vector<16xf32>
      %parallel_loop3A_55 = arith.addf %parallel_loop3A_28, %parallel_loop3A_33 : vector<16xf32>
      %parallel_loop3A_56 = arith.addf %parallel_loop3A_38, %parallel_loop3A_43 : vector<16xf32>
      %parallel_loop3A_57 = arith.addf %parallel_loop3A_48, %parallel_loop3A_53 : vector<16xf32>
      %parallel_loop3A_58 = arith.maximumf %parallel_loop3A_54, %parallel_loop3A_55 : vector<16xf32>
      %parallel_loop3A_59 = arith.maximumf %parallel_loop3A_56, %parallel_loop3A_57 : vector<16xf32>
      %parallel_loop3A_60 = arith.maximumf %parallel_loop3A_58, %parallel_loop3A_59 : vector<16xf32>
      %parallel_loop3A_61 = arith.constant 3 : i32
      %parallel_loop3A_62 = vector.broadcast %parallel_loop3A_61 : i32 to vector<16xi32>
      %parallel_loop3A_63 = arith.cmpf oeq, %parallel_loop3A_56, %parallel_loop3A_60 : vector<16xf32>
      %parallel_loop3A_64 = arith.constant 2 : i32
      %parallel_loop3A_65 = vector.broadcast %parallel_loop3A_64 : i32 to vector<16xi32>
      %parallel_loop3A_66 = arith.select %parallel_loop3A_63, %parallel_loop3A_65, %parallel_loop3A_62 : vector<16xi1>, vector<16xi32>
      %parallel_loop3A_67 = arith.cmpf oeq, %parallel_loop3A_55, %parallel_loop3A_60 : vector<16xf32>
      %parallel_loop3A_68 = arith.constant 1 : i32
      %parallel_loop3A_69 = vector.broadcast %parallel_loop3A_68 : i32 to vector<16xi32>
      %parallel_loop3A_70 = arith.select %parallel_loop3A_67, %parallel_loop3A_69, %parallel_loop3A_66 : vector<16xi1>, vector<16xi32>
      %parallel_loop3A_71 = arith.cmpf oeq, %parallel_loop3A_54, %parallel_loop3A_60 : vector<16xf32>
      %parallel_loop3A_72 = arith.constant 0 : i32
      %parallel_loop3A_73 = vector.broadcast %parallel_loop3A_72 : i32 to vector<16xi32>
      %parallel_loop3A_74 = arith.select %parallel_loop3A_71, %parallel_loop3A_73, %parallel_loop3A_70 : vector<16xi1>, vector<16xi32>
      %parallel_loop3A_75 = arith.constant 0 : i32
      %parallel_loop3A_76 = vector.broadcast %parallel_loop3A_75 : i32 to vector<16xi32>
      %parallel_loop3A_77 = arith.cmpi eq, %parallel_loop3A_74, %parallel_loop3A_76 : vector<16xi32>
      %parallel_loop3A_78 = arith.select %parallel_loop3A_77, %broadcast_in_dim3A_3, %parallel_loop3A_54 : vector<16xi1>, vector<16xf32>
      %parallel_loop3A_79 = arith.constant 1 : i32
      %parallel_loop3A_80 = vector.broadcast %parallel_loop3A_79 : i32 to vector<16xi32>
      %parallel_loop3A_81 = arith.cmpi eq, %parallel_loop3A_74, %parallel_loop3A_80 : vector<16xi32>
      %parallel_loop3A_82 = arith.select %parallel_loop3A_81, %broadcast_in_dim3A_3, %parallel_loop3A_55 : vector<16xi1>, vector<16xf32>
      %parallel_loop3A_83 = arith.constant 2 : i32
      %parallel_loop3A_84 = vector.broadcast %parallel_loop3A_83 : i32 to vector<16xi32>
      %parallel_loop3A_85 = arith.cmpi eq, %parallel_loop3A_74, %parallel_loop3A_84 : vector<16xi32>
      %parallel_loop3A_86 = arith.select %parallel_loop3A_85, %broadcast_in_dim3A_3, %parallel_loop3A_56 : vector<16xi1>, vector<16xf32>
      %parallel_loop3A_87 = arith.constant 3 : i32
      %parallel_loop3A_88 = vector.broadcast %parallel_loop3A_87 : i32 to vector<16xi32>
      %parallel_loop3A_89 = arith.cmpi eq, %parallel_loop3A_74, %parallel_loop3A_88 : vector<16xi32>
      %parallel_loop3A_90 = arith.select %parallel_loop3A_89, %broadcast_in_dim3A_3, %parallel_loop3A_57 : vector<16xi1>, vector<16xf32>
      %parallel_loop3A_91 = arith.maximumf %parallel_loop3A_78, %parallel_loop3A_82 : vector<16xf32>
      %parallel_loop3A_92 = arith.maximumf %parallel_loop3A_86, %parallel_loop3A_90 : vector<16xf32>
      %parallel_loop3A_93 = arith.maximumf %parallel_loop3A_91, %parallel_loop3A_92 : vector<16xf32>
      %parallel_loop3A_94 = arith.constant 3 : i32
      %parallel_loop3A_95 = vector.broadcast %parallel_loop3A_94 : i32 to vector<16xi32>
      %parallel_loop3A_96 = arith.cmpf oeq, %parallel_loop3A_86, %parallel_loop3A_93 : vector<16xf32>
      %parallel_loop3A_97 = arith.constant 2 : i32
      %parallel_loop3A_98 = vector.broadcast %parallel_loop3A_97 : i32 to vector<16xi32>
      %parallel_loop3A_99 = arith.select %parallel_loop3A_96, %parallel_loop3A_98, %parallel_loop3A_95 : vector<16xi1>, vector<16xi32>
      %parallel_loop3A_100 = arith.cmpf oeq, %parallel_loop3A_82, %parallel_loop3A_93 : vector<16xf32>
      %parallel_loop3A_101 = arith.constant 1 : i32
      %parallel_loop3A_102 = vector.broadcast %parallel_loop3A_101 : i32 to vector<16xi32>
      %parallel_loop3A_103 = arith.select %parallel_loop3A_100, %parallel_loop3A_102, %parallel_loop3A_99 : vector<16xi1>, vector<16xi32>
      %parallel_loop3A_104 = arith.cmpf oeq, %parallel_loop3A_78, %parallel_loop3A_93 : vector<16xf32>
      %parallel_loop3A_105 = arith.constant 0 : i32
      %parallel_loop3A_106 = vector.broadcast %parallel_loop3A_105 : i32 to vector<16xi32>
      %parallel_loop3A_107 = arith.select %parallel_loop3A_104, %parallel_loop3A_106, %parallel_loop3A_103 : vector<16xi1>, vector<16xi32>
      %parallel_loop3A_108 = arith.constant 0 : i32
      %parallel_loop3A_109 = vector.broadcast %parallel_loop3A_108 : i32 to vector<16xi32>
      %parallel_loop3A_110 = arith.cmpi eq, %parallel_loop3A_74, %parallel_loop3A_109 : vector<16xi32>
      %parallel_loop3A_111 = arith.cmpi eq, %parallel_loop3A_107, %parallel_loop3A_109 : vector<16xi32>
      %parallel_loop3A_112 = arith.ori %parallel_loop3A_110, %parallel_loop3A_111 : vector<16xi1>
      %parallel_loop3A_113 = arith.select %parallel_loop3A_112, %parallel_loop3A_18, %broadcast_in_dim3A_5 : vector<16xi1>, vector<16xf32>
      %parallel_loop3A_114 = arith.constant 0 : i32
      %parallel_loop3A_115 = vector.broadcast %parallel_loop3A_114 : i32 to vector<16xi32>
      %parallel_loop3A_116 = arith.cmpi eq, %parallel_loop3A_74, %parallel_loop3A_115 : vector<16xi32>
      %parallel_loop3A_117 = arith.cmpi eq, %parallel_loop3A_107, %parallel_loop3A_115 : vector<16xi32>
      %parallel_loop3A_118 = arith.ori %parallel_loop3A_116, %parallel_loop3A_117 : vector<16xi1>
      %parallel_loop3A_119 = arith.select %parallel_loop3A_118, %parallel_loop3A_23, %broadcast_in_dim3A_5 : vector<16xi1>, vector<16xf32>
      %parallel_loop3A_120 = arith.constant 1 : i32
      %parallel_loop3A_121 = vector.broadcast %parallel_loop3A_120 : i32 to vector<16xi32>
      %parallel_loop3A_122 = arith.cmpi eq, %parallel_loop3A_74, %parallel_loop3A_121 : vector<16xi32>
      %parallel_loop3A_123 = arith.cmpi eq, %parallel_loop3A_107, %parallel_loop3A_121 : vector<16xi32>
      %parallel_loop3A_124 = arith.ori %parallel_loop3A_122, %parallel_loop3A_123 : vector<16xi1>
      %parallel_loop3A_125 = arith.select %parallel_loop3A_124, %parallel_loop3A_28, %broadcast_in_dim3A_5 : vector<16xi1>, vector<16xf32>
      %parallel_loop3A_126 = arith.constant 1 : i32
      %parallel_loop3A_127 = vector.broadcast %parallel_loop3A_126 : i32 to vector<16xi32>
      %parallel_loop3A_128 = arith.cmpi eq, %parallel_loop3A_74, %parallel_loop3A_127 : vector<16xi32>
      %parallel_loop3A_129 = arith.cmpi eq, %parallel_loop3A_107, %parallel_loop3A_127 : vector<16xi32>
      %parallel_loop3A_130 = arith.ori %parallel_loop3A_128, %parallel_loop3A_129 : vector<16xi1>
      %parallel_loop3A_131 = arith.select %parallel_loop3A_130, %parallel_loop3A_33, %broadcast_in_dim3A_5 : vector<16xi1>, vector<16xf32>
      %parallel_loop3A_132 = arith.constant 2 : i32
      %parallel_loop3A_133 = vector.broadcast %parallel_loop3A_132 : i32 to vector<16xi32>
      %parallel_loop3A_134 = arith.cmpi eq, %parallel_loop3A_74, %parallel_loop3A_133 : vector<16xi32>
      %parallel_loop3A_135 = arith.cmpi eq, %parallel_loop3A_107, %parallel_loop3A_133 : vector<16xi32>
      %parallel_loop3A_136 = arith.ori %parallel_loop3A_134, %parallel_loop3A_135 : vector<16xi1>
      %parallel_loop3A_137 = arith.select %parallel_loop3A_136, %parallel_loop3A_38, %broadcast_in_dim3A_5 : vector<16xi1>, vector<16xf32>
      %parallel_loop3A_138 = arith.constant 2 : i32
      %parallel_loop3A_139 = vector.broadcast %parallel_loop3A_138 : i32 to vector<16xi32>
      %parallel_loop3A_140 = arith.cmpi eq, %parallel_loop3A_74, %parallel_loop3A_139 : vector<16xi32>
      %parallel_loop3A_141 = arith.cmpi eq, %parallel_loop3A_107, %parallel_loop3A_139 : vector<16xi32>
      %parallel_loop3A_142 = arith.ori %parallel_loop3A_140, %parallel_loop3A_141 : vector<16xi1>
      %parallel_loop3A_143 = arith.select %parallel_loop3A_142, %parallel_loop3A_43, %broadcast_in_dim3A_5 : vector<16xi1>, vector<16xf32>
      %parallel_loop3A_144 = arith.constant 3 : i32
      %parallel_loop3A_145 = vector.broadcast %parallel_loop3A_144 : i32 to vector<16xi32>
      %parallel_loop3A_146 = arith.cmpi eq, %parallel_loop3A_74, %parallel_loop3A_145 : vector<16xi32>
      %parallel_loop3A_147 = arith.cmpi eq, %parallel_loop3A_107, %parallel_loop3A_145 : vector<16xi32>
      %parallel_loop3A_148 = arith.ori %parallel_loop3A_146, %parallel_loop3A_147 : vector<16xi1>
      %parallel_loop3A_149 = arith.select %parallel_loop3A_148, %parallel_loop3A_48, %broadcast_in_dim3A_5 : vector<16xi1>, vector<16xf32>
      %parallel_loop3A_150 = arith.constant 3 : i32
      %parallel_loop3A_151 = vector.broadcast %parallel_loop3A_150 : i32 to vector<16xi32>
      %parallel_loop3A_152 = arith.cmpi eq, %parallel_loop3A_74, %parallel_loop3A_151 : vector<16xi32>
      %parallel_loop3A_153 = arith.cmpi eq, %parallel_loop3A_107, %parallel_loop3A_151 : vector<16xi32>
      %parallel_loop3A_154 = arith.ori %parallel_loop3A_152, %parallel_loop3A_153 : vector<16xi1>
      %parallel_loop3A_155 = arith.select %parallel_loop3A_154, %parallel_loop3A_53, %broadcast_in_dim3A_5 : vector<16xi1>, vector<16xf32>
      %parallel_loop3A_156 = arith.maximumf %parallel_loop3A_113, %parallel_loop3A_119 : vector<16xf32>
      %parallel_loop3A_157 = arith.maximumf %parallel_loop3A_156, %parallel_loop3A_125 : vector<16xf32>
      %parallel_loop3A_158 = arith.maximumf %parallel_loop3A_157, %parallel_loop3A_131 : vector<16xf32>
      %parallel_loop3A_159 = arith.maximumf %parallel_loop3A_158, %parallel_loop3A_137 : vector<16xf32>
      %parallel_loop3A_160 = arith.maximumf %parallel_loop3A_159, %parallel_loop3A_143 : vector<16xf32>
      %parallel_loop3A_161 = arith.maximumf %parallel_loop3A_160, %parallel_loop3A_149 : vector<16xf32>
      %parallel_loop3A_162 = arith.maximumf %parallel_loop3A_161, %parallel_loop3A_155 : vector<16xf32>
      %parallel_loop3A_163 = arith.constant 7 : i32
      %parallel_loop3A_164 = vector.broadcast %parallel_loop3A_163 : i32 to vector<16xi32>
      %parallel_loop3A_165 = arith.cmpf oeq, %parallel_loop3A_149, %parallel_loop3A_162 : vector<16xf32>
      %parallel_loop3A_166 = arith.constant 6 : i32
      %parallel_loop3A_167 = vector.broadcast %parallel_loop3A_166 : i32 to vector<16xi32>
      %parallel_loop3A_168 = arith.select %parallel_loop3A_165, %parallel_loop3A_167, %parallel_loop3A_164 : vector<16xi1>, vector<16xi32>
      %parallel_loop3A_169 = arith.cmpf oeq, %parallel_loop3A_143, %parallel_loop3A_162 : vector<16xf32>
      %parallel_loop3A_170 = arith.constant 5 : i32
      %parallel_loop3A_171 = vector.broadcast %parallel_loop3A_170 : i32 to vector<16xi32>
      %parallel_loop3A_172 = arith.select %parallel_loop3A_169, %parallel_loop3A_171, %parallel_loop3A_168 : vector<16xi1>, vector<16xi32>
      %parallel_loop3A_173 = arith.cmpf oeq, %parallel_loop3A_137, %parallel_loop3A_162 : vector<16xf32>
      %parallel_loop3A_174 = arith.constant 4 : i32
      %parallel_loop3A_175 = vector.broadcast %parallel_loop3A_174 : i32 to vector<16xi32>
      %parallel_loop3A_176 = arith.select %parallel_loop3A_173, %parallel_loop3A_175, %parallel_loop3A_172 : vector<16xi1>, vector<16xi32>
      %parallel_loop3A_177 = arith.cmpf oeq, %parallel_loop3A_131, %parallel_loop3A_162 : vector<16xf32>
      %parallel_loop3A_178 = arith.constant 3 : i32
      %parallel_loop3A_179 = vector.broadcast %parallel_loop3A_178 : i32 to vector<16xi32>
      %parallel_loop3A_180 = arith.select %parallel_loop3A_177, %parallel_loop3A_179, %parallel_loop3A_176 : vector<16xi1>, vector<16xi32>
      %parallel_loop3A_181 = arith.cmpf oeq, %parallel_loop3A_125, %parallel_loop3A_162 : vector<16xf32>
      %parallel_loop3A_182 = arith.constant 2 : i32
      %parallel_loop3A_183 = vector.broadcast %parallel_loop3A_182 : i32 to vector<16xi32>
      %parallel_loop3A_184 = arith.select %parallel_loop3A_181, %parallel_loop3A_183, %parallel_loop3A_180 : vector<16xi1>, vector<16xi32>
      %parallel_loop3A_185 = arith.cmpf oeq, %parallel_loop3A_119, %parallel_loop3A_162 : vector<16xf32>
      %parallel_loop3A_186 = arith.constant 1 : i32
      %parallel_loop3A_187 = vector.broadcast %parallel_loop3A_186 : i32 to vector<16xi32>
      %parallel_loop3A_188 = arith.select %parallel_loop3A_185, %parallel_loop3A_187, %parallel_loop3A_184 : vector<16xi1>, vector<16xi32>
      %parallel_loop3A_189 = arith.cmpf oeq, %parallel_loop3A_113, %parallel_loop3A_162 : vector<16xf32>
      %parallel_loop3A_190 = arith.constant 0 : i32
      %parallel_loop3A_191 = vector.broadcast %parallel_loop3A_190 : i32 to vector<16xi32>
      %parallel_loop3A_192 = arith.select %parallel_loop3A_189, %parallel_loop3A_191, %parallel_loop3A_188 : vector<16xi1>, vector<16xi32>
      %parallel_loop3A_193 = arith.constant 0 : i32
      %parallel_loop3A_194 = vector.broadcast %parallel_loop3A_193 : i32 to vector<16xi32>
      %parallel_loop3A_195 = arith.cmpi eq, %parallel_loop3A_192, %parallel_loop3A_194 : vector<16xi32>
      %parallel_loop3A_196 = arith.select %parallel_loop3A_195, %broadcast_in_dim3A_3, %parallel_loop3A_113 : vector<16xi1>, vector<16xf32>
      %parallel_loop3A_197 = arith.constant 1 : i32
      %parallel_loop3A_198 = vector.broadcast %parallel_loop3A_197 : i32 to vector<16xi32>
      %parallel_loop3A_199 = arith.cmpi eq, %parallel_loop3A_192, %parallel_loop3A_198 : vector<16xi32>
      %parallel_loop3A_200 = arith.select %parallel_loop3A_199, %broadcast_in_dim3A_3, %parallel_loop3A_119 : vector<16xi1>, vector<16xf32>
      %parallel_loop3A_201 = arith.constant 2 : i32
      %parallel_loop3A_202 = vector.broadcast %parallel_loop3A_201 : i32 to vector<16xi32>
      %parallel_loop3A_203 = arith.cmpi eq, %parallel_loop3A_192, %parallel_loop3A_202 : vector<16xi32>
      %parallel_loop3A_204 = arith.select %parallel_loop3A_203, %broadcast_in_dim3A_3, %parallel_loop3A_125 : vector<16xi1>, vector<16xf32>
      %parallel_loop3A_205 = arith.constant 3 : i32
      %parallel_loop3A_206 = vector.broadcast %parallel_loop3A_205 : i32 to vector<16xi32>
      %parallel_loop3A_207 = arith.cmpi eq, %parallel_loop3A_192, %parallel_loop3A_206 : vector<16xi32>
      %parallel_loop3A_208 = arith.select %parallel_loop3A_207, %broadcast_in_dim3A_3, %parallel_loop3A_131 : vector<16xi1>, vector<16xf32>
      %parallel_loop3A_209 = arith.constant 4 : i32
      %parallel_loop3A_210 = vector.broadcast %parallel_loop3A_209 : i32 to vector<16xi32>
      %parallel_loop3A_211 = arith.cmpi eq, %parallel_loop3A_192, %parallel_loop3A_210 : vector<16xi32>
      %parallel_loop3A_212 = arith.select %parallel_loop3A_211, %broadcast_in_dim3A_3, %parallel_loop3A_137 : vector<16xi1>, vector<16xf32>
      %parallel_loop3A_213 = arith.constant 5 : i32
      %parallel_loop3A_214 = vector.broadcast %parallel_loop3A_213 : i32 to vector<16xi32>
      %parallel_loop3A_215 = arith.cmpi eq, %parallel_loop3A_192, %parallel_loop3A_214 : vector<16xi32>
      %parallel_loop3A_216 = arith.select %parallel_loop3A_215, %broadcast_in_dim3A_3, %parallel_loop3A_143 : vector<16xi1>, vector<16xf32>
      %parallel_loop3A_217 = arith.constant 6 : i32
      %parallel_loop3A_218 = vector.broadcast %parallel_loop3A_217 : i32 to vector<16xi32>
      %parallel_loop3A_219 = arith.cmpi eq, %parallel_loop3A_192, %parallel_loop3A_218 : vector<16xi32>
      %parallel_loop3A_220 = arith.select %parallel_loop3A_219, %broadcast_in_dim3A_3, %parallel_loop3A_149 : vector<16xi1>, vector<16xf32>
      %parallel_loop3A_221 = arith.constant 7 : i32
      %parallel_loop3A_222 = vector.broadcast %parallel_loop3A_221 : i32 to vector<16xi32>
      %parallel_loop3A_223 = arith.cmpi eq, %parallel_loop3A_192, %parallel_loop3A_222 : vector<16xi32>
      %parallel_loop3A_224 = arith.select %parallel_loop3A_223, %broadcast_in_dim3A_3, %parallel_loop3A_155 : vector<16xi1>, vector<16xf32>
      %parallel_loop3A_225 = arith.maximumf %parallel_loop3A_196, %parallel_loop3A_200 : vector<16xf32>
      %parallel_loop3A_226 = arith.maximumf %parallel_loop3A_225, %parallel_loop3A_204 : vector<16xf32>
      %parallel_loop3A_227 = arith.maximumf %parallel_loop3A_226, %parallel_loop3A_208 : vector<16xf32>
      %parallel_loop3A_228 = arith.maximumf %parallel_loop3A_227, %parallel_loop3A_212 : vector<16xf32>
      %parallel_loop3A_229 = arith.maximumf %parallel_loop3A_228, %parallel_loop3A_216 : vector<16xf32>
      %parallel_loop3A_230 = arith.maximumf %parallel_loop3A_229, %parallel_loop3A_220 : vector<16xf32>
      %parallel_loop3A_231 = arith.maximumf %parallel_loop3A_230, %parallel_loop3A_224 : vector<16xf32>
      %parallel_loop3A_232 = arith.constant 7 : i32
      %parallel_loop3A_233 = vector.broadcast %parallel_loop3A_232 : i32 to vector<16xi32>
      %parallel_loop3A_234 = arith.cmpf oeq, %parallel_loop3A_220, %parallel_loop3A_231 : vector<16xf32>
      %parallel_loop3A_235 = arith.constant 6 : i32
      %parallel_loop3A_236 = vector.broadcast %parallel_loop3A_235 : i32 to vector<16xi32>
      %parallel_loop3A_237 = arith.select %parallel_loop3A_234, %parallel_loop3A_236, %parallel_loop3A_233 : vector<16xi1>, vector<16xi32>
      %parallel_loop3A_238 = arith.cmpf oeq, %parallel_loop3A_216, %parallel_loop3A_231 : vector<16xf32>
      %parallel_loop3A_239 = arith.constant 5 : i32
      %parallel_loop3A_240 = vector.broadcast %parallel_loop3A_239 : i32 to vector<16xi32>
      %parallel_loop3A_241 = arith.select %parallel_loop3A_238, %parallel_loop3A_240, %parallel_loop3A_237 : vector<16xi1>, vector<16xi32>
      %parallel_loop3A_242 = arith.cmpf oeq, %parallel_loop3A_212, %parallel_loop3A_231 : vector<16xf32>
      %parallel_loop3A_243 = arith.constant 4 : i32
      %parallel_loop3A_244 = vector.broadcast %parallel_loop3A_243 : i32 to vector<16xi32>
      %parallel_loop3A_245 = arith.select %parallel_loop3A_242, %parallel_loop3A_244, %parallel_loop3A_241 : vector<16xi1>, vector<16xi32>
      %parallel_loop3A_246 = arith.cmpf oeq, %parallel_loop3A_208, %parallel_loop3A_231 : vector<16xf32>
      %parallel_loop3A_247 = arith.constant 3 : i32
      %parallel_loop3A_248 = vector.broadcast %parallel_loop3A_247 : i32 to vector<16xi32>
      %parallel_loop3A_249 = arith.select %parallel_loop3A_246, %parallel_loop3A_248, %parallel_loop3A_245 : vector<16xi1>, vector<16xi32>
      %parallel_loop3A_250 = arith.cmpf oeq, %parallel_loop3A_204, %parallel_loop3A_231 : vector<16xf32>
      %parallel_loop3A_251 = arith.constant 2 : i32
      %parallel_loop3A_252 = vector.broadcast %parallel_loop3A_251 : i32 to vector<16xi32>
      %parallel_loop3A_253 = arith.select %parallel_loop3A_250, %parallel_loop3A_252, %parallel_loop3A_249 : vector<16xi1>, vector<16xi32>
      %parallel_loop3A_254 = arith.cmpf oeq, %parallel_loop3A_200, %parallel_loop3A_231 : vector<16xf32>
      %parallel_loop3A_255 = arith.constant 1 : i32
      %parallel_loop3A_256 = vector.broadcast %parallel_loop3A_255 : i32 to vector<16xi32>
      %parallel_loop3A_257 = arith.select %parallel_loop3A_254, %parallel_loop3A_256, %parallel_loop3A_253 : vector<16xi1>, vector<16xi32>
      %parallel_loop3A_258 = arith.cmpf oeq, %parallel_loop3A_196, %parallel_loop3A_231 : vector<16xf32>
      %parallel_loop3A_259 = arith.constant 0 : i32
      %parallel_loop3A_260 = vector.broadcast %parallel_loop3A_259 : i32 to vector<16xi32>
      %parallel_loop3A_261 = arith.select %parallel_loop3A_258, %parallel_loop3A_260, %parallel_loop3A_257 : vector<16xi1>, vector<16xi32>
      %parallel_loop3A_262 = arith.constant 6 : i32
      %parallel_loop3A_263 = vector.broadcast %parallel_loop3A_262 : i32 to vector<16xi32>
      %parallel_loop3A_264 = arith.cmpi eq, %parallel_loop3A_192, %parallel_loop3A_263 : vector<16xi32>
      %parallel_loop3A_265 = arith.select %parallel_loop3A_264, %parallel_loop3A_48, %parallel_loop3A_53 : vector<16xi1>, vector<16xf32>
      %parallel_loop3A_266 = arith.cmpi eq, %parallel_loop3A_261, %parallel_loop3A_263 : vector<16xi32>
      %parallel_loop3A_267 = arith.select %parallel_loop3A_266, %parallel_loop3A_48, %parallel_loop3A_53 : vector<16xi1>, vector<16xf32>
      %parallel_loop3A_268 = arith.constant 5 : i32
      %parallel_loop3A_269 = vector.broadcast %parallel_loop3A_268 : i32 to vector<16xi32>
      %parallel_loop3A_270 = arith.cmpi eq, %parallel_loop3A_192, %parallel_loop3A_269 : vector<16xi32>
      %parallel_loop3A_271 = arith.select %parallel_loop3A_270, %parallel_loop3A_43, %parallel_loop3A_265 : vector<16xi1>, vector<16xf32>
      %parallel_loop3A_272 = arith.cmpi eq, %parallel_loop3A_261, %parallel_loop3A_269 : vector<16xi32>
      %parallel_loop3A_273 = arith.select %parallel_loop3A_272, %parallel_loop3A_43, %parallel_loop3A_267 : vector<16xi1>, vector<16xf32>
      %parallel_loop3A_274 = arith.constant 4 : i32
      %parallel_loop3A_275 = vector.broadcast %parallel_loop3A_274 : i32 to vector<16xi32>
      %parallel_loop3A_276 = arith.cmpi eq, %parallel_loop3A_192, %parallel_loop3A_275 : vector<16xi32>
      %parallel_loop3A_277 = arith.select %parallel_loop3A_276, %parallel_loop3A_38, %parallel_loop3A_271 : vector<16xi1>, vector<16xf32>
      %parallel_loop3A_278 = arith.cmpi eq, %parallel_loop3A_261, %parallel_loop3A_275 : vector<16xi32>
      %parallel_loop3A_279 = arith.select %parallel_loop3A_278, %parallel_loop3A_38, %parallel_loop3A_273 : vector<16xi1>, vector<16xf32>
      %parallel_loop3A_280 = arith.constant 3 : i32
      %parallel_loop3A_281 = vector.broadcast %parallel_loop3A_280 : i32 to vector<16xi32>
      %parallel_loop3A_282 = arith.cmpi eq, %parallel_loop3A_192, %parallel_loop3A_281 : vector<16xi32>
      %parallel_loop3A_283 = arith.select %parallel_loop3A_282, %parallel_loop3A_33, %parallel_loop3A_277 : vector<16xi1>, vector<16xf32>
      %parallel_loop3A_284 = arith.cmpi eq, %parallel_loop3A_261, %parallel_loop3A_281 : vector<16xi32>
      %parallel_loop3A_285 = arith.select %parallel_loop3A_284, %parallel_loop3A_33, %parallel_loop3A_279 : vector<16xi1>, vector<16xf32>
      %parallel_loop3A_286 = arith.constant 2 : i32
      %parallel_loop3A_287 = vector.broadcast %parallel_loop3A_286 : i32 to vector<16xi32>
      %parallel_loop3A_288 = arith.cmpi eq, %parallel_loop3A_192, %parallel_loop3A_287 : vector<16xi32>
      %parallel_loop3A_289 = arith.select %parallel_loop3A_288, %parallel_loop3A_28, %parallel_loop3A_283 : vector<16xi1>, vector<16xf32>
      %parallel_loop3A_290 = arith.cmpi eq, %parallel_loop3A_261, %parallel_loop3A_287 : vector<16xi32>
      %parallel_loop3A_291 = arith.select %parallel_loop3A_290, %parallel_loop3A_28, %parallel_loop3A_285 : vector<16xi1>, vector<16xf32>
      %parallel_loop3A_292 = arith.constant 1 : i32
      %parallel_loop3A_293 = vector.broadcast %parallel_loop3A_292 : i32 to vector<16xi32>
      %parallel_loop3A_294 = arith.cmpi eq, %parallel_loop3A_192, %parallel_loop3A_293 : vector<16xi32>
      %parallel_loop3A_295 = arith.select %parallel_loop3A_294, %parallel_loop3A_23, %parallel_loop3A_289 : vector<16xi1>, vector<16xf32>
      %parallel_loop3A_296 = arith.cmpi eq, %parallel_loop3A_261, %parallel_loop3A_293 : vector<16xi32>
      %parallel_loop3A_297 = arith.select %parallel_loop3A_296, %parallel_loop3A_23, %parallel_loop3A_291 : vector<16xi1>, vector<16xf32>
      %parallel_loop3A_298 = arith.constant 0 : i32
      %parallel_loop3A_299 = vector.broadcast %parallel_loop3A_298 : i32 to vector<16xi32>
      %parallel_loop3A_300 = arith.cmpi eq, %parallel_loop3A_192, %parallel_loop3A_299 : vector<16xi32>
      %parallel_loop3A_301 = arith.select %parallel_loop3A_300, %parallel_loop3A_18, %parallel_loop3A_295 : vector<16xi1>, vector<16xf32>
      %parallel_loop3A_302 = arith.cmpi eq, %parallel_loop3A_261, %parallel_loop3A_299 : vector<16xi32>
      %parallel_loop3A_303 = arith.select %parallel_loop3A_302, %parallel_loop3A_18, %parallel_loop3A_297 : vector<16xi1>, vector<16xf32>
      %parallel_loop3A_304 = arith.addf %parallel_loop3A_301, %parallel_loop3A_303 : vector<16xf32>
      %parallel_loop3A_305 = arith.constant 1.000000e+00 : f32
      %parallel_loop3A_306 = vector.broadcast %parallel_loop3A_305 : f32 to vector<16xf32>
      %parallel_loop3A_307 = arith.divf %parallel_loop3A_301, %parallel_loop3A_304 : vector<16xf32>
      %parallel_loop3A_308 = arith.mulf %parallel_loop3A_307, %parallel_loop3A_306 : vector<16xf32>
      %parallel_loop3A_309 = arith.index_cast %parallel_loop3A_13 : i32 to index
      %parallel_loop3A_310 = tpu.vector_load %arg6[%parallel_loop3A_309] {strides = array<i32>} : memref<512xf32, #tpu.memory_space<vmem>>, vector<16xf32>,
      %parallel_loop3A_311 = vector.shape_cast %parallel_loop3A_310 : vector<16xf32> to vector<16xf32>
      %parallel_loop3A_312 = vector.shape_cast %parallel_loop3A_308 : vector<16xf32> to vector<16xf32>
      tpu.vector_store %arg6[%parallel_loop3A_309], %parallel_loop3A_312 {strides = array<i32>} : memref<512xf32, #tpu.memory_space<vmem>>, vector<16xf32>,
      %parallel_loop3A_313 = arith.divf %parallel_loop3A_303, %parallel_loop3A_304 : vector<16xf32>
      %parallel_loop3A_314 = arith.mulf %parallel_loop3A_313, %parallel_loop3A_306 : vector<16xf32>
      %parallel_loop3A_315 = arith.index_cast %parallel_loop3A_13 : i32 to index
      %parallel_loop3A_316 = tpu.vector_load %arg7[%parallel_loop3A_315] {strides = array<i32>} : memref<512xf32, #tpu.memory_space<vmem>>, vector<16xf32>,
      %parallel_loop3A_317 = vector.shape_cast %parallel_loop3A_316 : vector<16xf32> to vector<16xf32>
      %parallel_loop3A_318 = vector.shape_cast %parallel_loop3A_314 : vector<16xf32> to vector<16xf32>
      tpu.vector_store %arg7[%parallel_loop3A_315], %parallel_loop3A_318 {strides = array<i32>} : memref<512xf32, #tpu.memory_space<vmem>>, vector<16xf32>,
      %parallel_loop3A_319 = arith.index_cast %parallel_loop3A_13 : i32 to index
      %parallel_loop3A_320 = tpu.vector_load %arg8[%parallel_loop3A_319] {strides = array<i32>} : memref<512xi32, #tpu.memory_space<vmem>>, vector<16xi32>,
      %parallel_loop3A_321 = vector.shape_cast %parallel_loop3A_320 : vector<16xi32> to vector<16xi32>
      %parallel_loop3A_322 = vector.shape_cast %parallel_loop3A_192 : vector<16xi32> to vector<16xi32>
      tpu.vector_store %arg8[%parallel_loop3A_319], %parallel_loop3A_322 {strides = array<i32>} : memref<512xi32, #tpu.memory_space<vmem>>, vector<16xi32>,
      %parallel_loop3A_323 = arith.index_cast %parallel_loop3A_13 : i32 to index
      %parallel_loop3A_324 = tpu.vector_load %arg9[%parallel_loop3A_323] {strides = array<i32>} : memref<512xi32, #tpu.memory_space<vmem>>, vector<16xi32>,
      %parallel_loop3A_325 = vector.shape_cast %parallel_loop3A_324 : vector<16xi32> to vector<16xi32>
      %parallel_loop3A_326 = vector.shape_cast %parallel_loop3A_261 : vector<16xi32> to vector<16xi32>
      tpu.vector_store %arg9[%parallel_loop3A_323], %parallel_loop3A_326 {strides = array<i32>} : memref<512xi32, #tpu.memory_space<vmem>>, vector<16xi32>,
    } {sc.loop_unroll_factor = 4 : i64, sc.parallel_access}
    %run_scoped3A = arith.constant 0 : i32
    "tpu.region"() ({
      %run_scoped3A_11 = tpu.sem_alloc : memref<!tpu.dma_semaphore, #tpu.memory_space<semaphore_mem>>
      %dma_start3A = tpu.memref_slice %arg3[%run_scoped3A, %mul3A_2] : memref<2x16384xf32, #tpu.memory_space<hbm>> -> memref<1x512xf32, #tpu.memory_space<hbm>>
      %dma_start3A_12 = tpu.memref_squeeze %dma_start3A : memref<1x512xf32, #tpu.memory_space<hbm>> -> memref<512xf32, #tpu.memory_space<hbm>>
      %dma_start3A_13 = tpu.memref_slice %arg3[%run_scoped3A, %mul3A_2] : memref<2x16384xf32, #tpu.memory_space<hbm>> -> memref<1x512xf32, #tpu.memory_space<hbm>>
      %dma_start3A_14 = tpu.memref_squeeze %dma_start3A_13 : memref<1x512xf32, #tpu.memory_space<hbm>> -> memref<512xf32, #tpu.memory_space<hbm>>
      tpu.enqueue_dma source(%arg6 : memref<512xf32, #tpu.memory_space<vmem>>) target(%dma_start3A_14 : memref<512xf32, #tpu.memory_space<hbm>>) target_semaphore(%run_scoped3A_11 : memref<!tpu.dma_semaphore, #tpu.memory_space<semaphore_mem>>)
      %dma_wait3A = tpu.memref_slice %arg3[%run_scoped3A, %mul3A_2] : memref<2x16384xf32, #tpu.memory_space<hbm>> -> memref<1x512xf32, #tpu.memory_space<hbm>>
      %dma_wait3A_15 = tpu.memref_squeeze %dma_wait3A : memref<1x512xf32, #tpu.memory_space<hbm>> -> memref<512xf32, #tpu.memory_space<hbm>>
      %dma_wait3A_16 = tpu.memref_slice %arg3[%run_scoped3A, %mul3A_2] : memref<2x16384xf32, #tpu.memory_space<hbm>> -> memref<1x512xf32, #tpu.memory_space<hbm>>
      %dma_wait3A_17 = tpu.memref_squeeze %dma_wait3A_16 : memref<1x512xf32, #tpu.memory_space<hbm>> -> memref<512xf32, #tpu.memory_space<hbm>>
      tpu.wait_dma2 semaphore(%run_scoped3A_11 : memref<!tpu.dma_semaphore, #tpu.memory_space<semaphore_mem>>) src(%arg6 : memref<512xf32, #tpu.memory_space<vmem>>) dst(%dma_wait3A_17 : memref<512xf32, #tpu.memory_space<hbm>>)
      tpu.yield
    }) : () -> ()
    %run_scoped3A_8 = arith.constant 1 : i32
    "tpu.region"() ({
      %run_scoped3A_11 = tpu.sem_alloc : memref<!tpu.dma_semaphore, #tpu.memory_space<semaphore_mem>>
      %dma_start3A = tpu.memref_slice %arg3[%run_scoped3A_8, %mul3A_2] : memref<2x16384xf32, #tpu.memory_space<hbm>> -> memref<1x512xf32, #tpu.memory_space<hbm>>
      %dma_start3A_12 = tpu.memref_squeeze %dma_start3A : memref<1x512xf32, #tpu.memory_space<hbm>> -> memref<512xf32, #tpu.memory_space<hbm>>
      %dma_start3A_13 = tpu.memref_slice %arg3[%run_scoped3A_8, %mul3A_2] : memref<2x16384xf32, #tpu.memory_space<hbm>> -> memref<1x512xf32, #tpu.memory_space<hbm>>
      %dma_start3A_14 = tpu.memref_squeeze %dma_start3A_13 : memref<1x512xf32, #tpu.memory_space<hbm>> -> memref<512xf32, #tpu.memory_space<hbm>>
      tpu.enqueue_dma source(%arg7 : memref<512xf32, #tpu.memory_space<vmem>>) target(%dma_start3A_14 : memref<512xf32, #tpu.memory_space<hbm>>) target_semaphore(%run_scoped3A_11 : memref<!tpu.dma_semaphore, #tpu.memory_space<semaphore_mem>>)
      %dma_wait3A = tpu.memref_slice %arg3[%run_scoped3A_8, %mul3A_2] : memref<2x16384xf32, #tpu.memory_space<hbm>> -> memref<1x512xf32, #tpu.memory_space<hbm>>
      %dma_wait3A_15 = tpu.memref_squeeze %dma_wait3A : memref<1x512xf32, #tpu.memory_space<hbm>> -> memref<512xf32, #tpu.memory_space<hbm>>
      %dma_wait3A_16 = tpu.memref_slice %arg3[%run_scoped3A_8, %mul3A_2] : memref<2x16384xf32, #tpu.memory_space<hbm>> -> memref<1x512xf32, #tpu.memory_space<hbm>>
      %dma_wait3A_17 = tpu.memref_squeeze %dma_wait3A_16 : memref<1x512xf32, #tpu.memory_space<hbm>> -> memref<512xf32, #tpu.memory_space<hbm>>
      tpu.wait_dma2 semaphore(%run_scoped3A_11 : memref<!tpu.dma_semaphore, #tpu.memory_space<semaphore_mem>>) src(%arg7 : memref<512xf32, #tpu.memory_space<vmem>>) dst(%dma_wait3A_17 : memref<512xf32, #tpu.memory_space<hbm>>)
      tpu.yield
    }) : () -> ()
    %run_scoped3A_9 = arith.constant 0 : i32
    "tpu.region"() ({
      %run_scoped3A_11 = tpu.sem_alloc : memref<!tpu.dma_semaphore, #tpu.memory_space<semaphore_mem>>
      %dma_start3A = tpu.memref_slice %arg4[%run_scoped3A_9, %mul3A_2] : memref<2x16384xi32, #tpu.memory_space<hbm>> -> memref<1x512xi32, #tpu.memory_space<hbm>>
      %dma_start3A_12 = tpu.memref_squeeze %dma_start3A : memref<1x512xi32, #tpu.memory_space<hbm>> -> memref<512xi32, #tpu.memory_space<hbm>>
      %dma_start3A_13 = tpu.memref_slice %arg4[%run_scoped3A_9, %mul3A_2] : memref<2x16384xi32, #tpu.memory_space<hbm>> -> memref<1x512xi32, #tpu.memory_space<hbm>>
      %dma_start3A_14 = tpu.memref_squeeze %dma_start3A_13 : memref<1x512xi32, #tpu.memory_space<hbm>> -> memref<512xi32, #tpu.memory_space<hbm>>
      tpu.enqueue_dma source(%arg8 : memref<512xi32, #tpu.memory_space<vmem>>) target(%dma_start3A_14 : memref<512xi32, #tpu.memory_space<hbm>>) target_semaphore(%run_scoped3A_11 : memref<!tpu.dma_semaphore, #tpu.memory_space<semaphore_mem>>)
      %dma_wait3A = tpu.memref_slice %arg4[%run_scoped3A_9, %mul3A_2] : memref<2x16384xi32, #tpu.memory_space<hbm>> -> memref<1x512xi32, #tpu.memory_space<hbm>>
      %dma_wait3A_15 = tpu.memref_squeeze %dma_wait3A : memref<1x512xi32, #tpu.memory_space<hbm>> -> memref<512xi32, #tpu.memory_space<hbm>>
      %dma_wait3A_16 = tpu.memref_slice %arg4[%run_scoped3A_9, %mul3A_2] : memref<2x16384xi32, #tpu.memory_space<hbm>> -> memref<1x512xi32, #tpu.memory_space<hbm>>
      %dma_wait3A_17 = tpu.memref_squeeze %dma_wait3A_16 : memref<1x512xi32, #tpu.memory_space<hbm>> -> memref<512xi32, #tpu.memory_space<hbm>>
      tpu.wait_dma2 semaphore(%run_scoped3A_11 : memref<!tpu.dma_semaphore, #tpu.memory_space<semaphore_mem>>) src(%arg8 : memref<512xi32, #tpu.memory_space<vmem>>) dst(%dma_wait3A_17 : memref<512xi32, #tpu.memory_space<hbm>>)
      tpu.yield
    }) : () -> ()
    %run_scoped3A_10 = arith.constant 1 : i32
    "tpu.region"() ({
      %run_scoped3A_11 = tpu.sem_alloc : memref<!tpu.dma_semaphore, #tpu.memory_space<semaphore_mem>>
      %dma_start3A = tpu.memref_slice %arg4[%run_scoped3A_10, %mul3A_2] : memref<2x16384xi32, #tpu.memory_space<hbm>> -> memref<1x512xi32, #tpu.memory_space<hbm>>
      %dma_start3A_12 = tpu.memref_squeeze %dma_start3A : memref<1x512xi32, #tpu.memory_space<hbm>> -> memref<512xi32, #tpu.memory_space<hbm>>
      %dma_start3A_13 = tpu.memref_slice %arg4[%run_scoped3A_10, %mul3A_2] : memref<2x16384xi32, #tpu.memory_space<hbm>> -> memref<1x512xi32, #tpu.memory_space<hbm>>
      %dma_start3A_14 = tpu.memref_squeeze %dma_start3A_13 : memref<1x512xi32, #tpu.memory_space<hbm>> -> memref<512xi32, #tpu.memory_space<hbm>>
      tpu.enqueue_dma source(%arg9 : memref<512xi32, #tpu.memory_space<vmem>>) target(%dma_start3A_14 : memref<512xi32, #tpu.memory_space<hbm>>) target_semaphore(%run_scoped3A_11 : memref<!tpu.dma_semaphore, #tpu.memory_space<semaphore_mem>>)
      %dma_wait3A = tpu.memref_slice %arg4[%run_scoped3A_10, %mul3A_2] : memref<2x16384xi32, #tpu.memory_space<hbm>> -> memref<1x512xi32, #tpu.memory_space<hbm>>
      %dma_wait3A_15 = tpu.memref_squeeze %dma_wait3A : memref<1x512xi32, #tpu.memory_space<hbm>> -> memref<512xi32, #tpu.memory_space<hbm>>
      %dma_wait3A_16 = tpu.memref_slice %arg4[%run_scoped3A_10, %mul3A_2] : memref<2x16384xi32, #tpu.memory_space<hbm>> -> memref<1x512xi32, #tpu.memory_space<hbm>>
      %dma_wait3A_17 = tpu.memref_squeeze %dma_wait3A_16 : memref<1x512xi32, #tpu.memory_space<hbm>> -> memref<512xi32, #tpu.memory_space<hbm>>
      tpu.wait_dma2 semaphore(%run_scoped3A_11 : memref<!tpu.dma_semaphore, #tpu.memory_space<semaphore_mem>>) src(%arg9 : memref<512xi32, #tpu.memory_space<vmem>>) dst(%dma_wait3A_17 : memref<512xi32, #tpu.memory_space<hbm>>)
      tpu.yield
    }) : () -> ()
    return
  }
}

module attributes {stable_mosaic.version = 14 : i64} {
  func.func @_score_kernel(%arg0: i32, %arg1: memref<512x4096xf32, #tpu.memory_space<vmem>>, %arg2: memref<8x4096xf32, #tpu.memory_space<vmem>>, %arg3: memref<8x1xf32, #tpu.memory_space<vmem>>, %arg4: memref<8x512xf32, #tpu.memory_space<vmem>>) attributes {dimension_semantics = [#tpu.dimension_semantics<arbitrary>], iteration_bounds = array<i64: 32>, scalar_prefetch = 0 : i64, scratch_operands = 0 : i64, tpu.core_type = #tpu.core_type<tc>, window_params = [{transform_indices = @transform_0, window_bounds = array<i64: 512, 4096>}, {pipeline_mode = #tpu.pipeline_mode<synchronous>, transform_indices = @transform_1, window_bounds = array<i64: 8, 4096>}, {pipeline_mode = #tpu.pipeline_mode<synchronous>, transform_indices = @transform_2, window_bounds = array<i64: 8, 1>}, {transform_indices = @transform_3, window_bounds = array<i64: 8, 512>}]} {
    %get3A = arith.constant 0 : index
    %get3A_0 = arith.constant 0 : index
    %get3A_1 = vector.load %arg1[%get3A, %get3A_0] : memref<512x4096xf32, #tpu.memory_space<vmem>>, vector<512x4096xf32>
    %convert_element_type3A = arith.truncf %get3A_1 : vector<512x4096xf32> to vector<512x4096xbf16>
    %get3A_2 = arith.constant 0 : index
    %get3A_3 = arith.constant 0 : index
    %get3A_4 = vector.load %arg2[%get3A_2, %get3A_3] : memref<8x4096xf32, #tpu.memory_space<vmem>>, vector<8x4096xf32>
    %convert_element_type3A_5 = arith.truncf %get3A_4 : vector<8x4096xf32> to vector<8x4096xbf16>
    %dot_general3A = arith.constant dense<0.000000e+00> : vector<8x512xf32>
    %dot_general3A_6 = tpu.matmul %convert_element_type3A_5, %convert_element_type3A, %dot_general3A {dimension_numbers = #tpu.dot_dimension_numbers<[1], [1], [0], [0], [0, 0, 1, 0], [], []>, transpose_lhs_hint = false} : vector<8x4096xbf16>, vector<512x4096xbf16>, vector<8x512xf32> -> vector<8x512xf32>
    %logistic3A = arith.negf %dot_general3A_6 : vector<8x512xf32>
    %logistic3A_7 = math.exp %logistic3A : vector<8x512xf32>
    %logistic3A_8 = arith.constant 1.000000e+00 : f32
    %logistic3A_9 = vector.broadcast %logistic3A_8 : f32 to vector<8x512xf32>
    %logistic3A_10 = arith.addf %logistic3A_9, %logistic3A_7 : vector<8x512xf32>
    %logistic3A_11 = arith.divf %logistic3A_9, %logistic3A_10 : vector<8x512xf32>
    %get3A_12 = arith.constant 0 : index
    %get3A_13 = arith.constant 0 : index
    %get3A_14 = vector.load %arg3[%get3A_12, %get3A_13] : memref<8x1xf32, #tpu.memory_space<vmem>>, vector<8x1xf32>
    %add3A = vector.broadcast %get3A_14 : vector<8x1xf32> to vector<8x512xf32>
    %add3A_15 = arith.addf %logistic3A_11, %add3A : vector<8x512xf32>
    %swap3A = arith.constant 0 : index
    %swap3A_16 = arith.constant 0 : index
    %swap3A_17 = vector.load %arg4[%swap3A, %swap3A_16] : memref<8x512xf32, #tpu.memory_space<vmem>>, vector<8x512xf32>
    tpu.vector_store %arg4[%swap3A, %swap3A_16], %add3A_15 {strides = array<i32>} : memref<8x512xf32, #tpu.memory_space<vmem>>, vector<8x512xf32>,
    return
  }
  func.func @transform_0(%arg0: i32) -> (i32, i32) {
    %c0_i32 = arith.constant 0 : i32
    %c0_i32_0 = arith.constant 0 : i32
    return %arg0, %c0_i32 : i32, i32
  }
  func.func @transform_1(%arg0: i32) -> (i32, i32) {
    %c0_i32 = arith.constant 0 : i32
    %c0_i32_0 = arith.constant 0 : i32
    %c0_i32_1 = arith.constant 0 : i32
    return %c0_i32, %c0_i32_0 : i32, i32
  }
  func.func @transform_2(%arg0: i32) -> (i32, i32) {
    %c0_i32 = arith.constant 0 : i32
    %c0_i32_0 = arith.constant 0 : i32
    %c0_i32_1 = arith.constant 0 : i32
    return %c0_i32, %c0_i32_0 : i32, i32
  }
  func.func @transform_3(%arg0: i32) -> (i32, i32) {
    %c0_i32 = arith.constant 0 : i32
    %c0_i32_0 = arith.constant 0 : i32
    return %c0_i32, %arg0 : i32, i32
  }
}

</mosaic_0001>

<sc_bundles>
// kernel: kernel.4.cloned.1.call-start
scs
__scs_entry_jumppad:
0x0: {  	(pc) =	sbr.rel $0x88, $3  }
0x1: {  	(tag) =	ssettag $0x0;
	lr =	simm.s32 $0x1  }
0x2: {  	[smem:$0x3F9E] =	sst lr;
	_ =	strace $0xD0000000  }
0x3: {  	_ = 	snop  }
0x4: {  	_ = 	snop  }
0x5: {  	_ = 	snop  }
0x6: {  	_ = 	snop  }
0x7: {  	_ = 	snop  }
__scs_overlays_trampoline_lowered:
0x8: {  	[smem:$0x3FAD] =	sst s0  }
0x9: {  	[smem:$0x3FAE] =	sst s1  }
0xa: {  	[smem:$0x3FAF] =	sst s2  }
0xb: {  	[smem:$0x3FB0] =	sst s3  }
0xc: {  	[smem:$0x3FB1] =	sst s4  }
0xd: {  	[smem:$0x3FB2] =	sst s5  }
0xe: {  	[smem:$0x3FB3] =	sst s6  }
0xf: {  	[smem:$0x3FB4] =	sst s7  }
0x10: {  	[smem:$0x3FB5] =	sst s8  }
0x11: {  	[smem:$0x3FB6] =	sst s9;
	s0 =	simm.s32 @!p0 $0x0  }
0x12: {  	s1 =	sld [smem:$0x3F9C];
	s0 =	simm.s32 @p0 $0x1  }
0x13: {  	[smem:$0x3FB7] =	sst s0;
	s0 =	simm.s32 @!p1 $0x0  }
0x14: {  	s2 =	sld [smem:$0x3F9B];
	s0 =	simm.s32 @p1 $0x1  }
0x15: {  	[smem:$0x3FB8] =	sst s0;
	s0 =	simm.s32 @!p2 $0x0  }
0x16: {  	s3 =	sld [smem:$0x3FDB];
	s0 =	simm.s32 @p2 $0x1  }
0x17: {  	s4 =	simm.s32 $0x1BF5;
	[smem:$0x3FBA] =	sst s0  }
0x18: {  	s0 =	sld [smem:$0x3F9D];
	_ =	swait.ge [sflag:s4], $0x0  }
0x19: {  	s7 =	sld [smem:$0x3F9E]  }
0x1a: {  	s8 =	sadd.s32 $0xFFFFE003, lr  }
0x1b: {  	s9 =	sadd.s32 $0xFFFFFEF7, lr;
	s5 =	simm.s32 $0xFFFFFFFF;
	p2 =	slt.u32 s8, $0xFFFFF086  }
0x1c: {  	p1 =	slt.u32 s9, $0xF7A;
	s5 =	simm.s32 @!p2 $0x0  }
0x1d: {  	s5 =	simm.s32 @p1 $0x1;
	p0 =	seq.s32 s7, s2  }
0x1e: {  	s7 =	smul.u32 @!p0 $0xF7A, s2;
	p2 =	seq.s32 @!p0 s5, $0x0  }
0x1f: {  	s9 =	smul.u32 $0xF7A, s1;
	s8 =	simm.s32 @!p0 $0x1BF5;
	p2 =	por !p2, p0  }
0x20: {  	[sflag:s8] =	ssyncset.s32 @!p0 $0xFFFFF086;
	s6 =	sadd.s32 @!p0 s3, s7;
	s7 =	simm.s32 @!p0 $0x108  }
0x21: {  	s3 =	sadd.s32 s3, s9;
	s6 =	sadd.s32 @!p0 $0x88, s6;
	s7 =	simm.s32 @p2 $0x1082  }
0x22: {  	[simem:s7], [sflag:s8] =	dma.local @!p0 [hbm:s6], $0xF7A  }
0x23: {  	s9 =	sor.u32 $0xD0000000, s2;
	s6 =	simm.s32 $0x108;
	_ =	swait.ge @!p0 [sflag:s8], $0x0  }
0x24: {  	s3 =	sadd.s32 $0x88, s3;
	s6 =	simm.s32 @!p1 $0x1082;
	[sflag:s4] =	ssyncset.s32 $0xFFFFF086  }
0x25: {  	[simem:s6], [sflag:s4] =	dma.local [hbm:s3], $0xF7A  }
0x26: {  	[smem:$0x3F9E] =	sst s1;
	(tag) =	ssettag s2;
	_ =	strace s9  }
0x27: {  	s1 =	sld [smem:$0x3FAE]  }
0x28: {  	s2 =	sld [smem:$0x3FAF]  }
0x29: {  	s4 =	sld [smem:$0x3FB1]  }
0x2a: {  	p0 =	seq.s32 s5, $0x0;
	s5 =	sld [smem:$0x3FB2]  }
0x2b: {  	s6 =	sld [smem:$0x3FB3]  }
0x2c: {  	s7 =	sld [smem:$0x3FB4]  }
0x2d: {  	s3 =	simm.s32 $0x108;
	s8 =	sld [smem:$0x3FB5]  }
0x2e: {  	s3 =	simm.s32 @!p0 $0x1082;
	s9 =	sld [smem:$0x3FB6]  }
0x2f: {  	lr =	sadd.s32 s0, s3;
	s0 =	sld [smem:$0x3FAD]  }
0x30: {  	s3 =	sld [smem:$0x3FB0]  }
0x31: {  	[smem:$0x3FB9] =	sst s10  }
0x32: {  	s10 =	sld [smem:$0x3FB7];
	_ =	sdelay $0x3  }
0x33: {  	p0 =	seq.s32 s10, $0x1;
	s10 =	sld [smem:$0x3FB9];
	_ =	sdelay $0x3  }
0x34: {  	[smem:$0x3FB9] =	sst s10  }
0x35: {  	s10 =	sld [smem:$0x3FB8];
	_ =	sdelay $0x3  }
0x36: {  	p1 =	seq.s32 s10, $0x1;
	s10 =	sld [smem:$0x3FB9];
	_ =	sdelay $0x3  }
0x37: {  	[smem:$0x3FB9] =	sst s10  }
0x38: {  	s10 =	sld [smem:$0x3FBA]  }
0x39: {  	_ = 	snop;
	(pc) =	sbr.ind lr, $3  }
0x3a: {  	_ = 	snop  }
0x3b: {  	_ = 	snop  }
0x3c: {  	p2 =	seq.s32 s10, $0x1;
	s10 =	sld [smem:$0x3FB9]  }
0x3d: {  	_ =	shalt  }
0x3e: {  	_ =	shalt  }
0x3f: {  	_ =	shalt  }
0x40: {  	_ =	shalt  }
0x41: {  	_ =	shalt  }
0x42: {  	_ =	shalt  }
0x43: {  	_ =	shalt  }
0x44: {  	_ =	shalt  }
0x45: {  	_ =	shalt  }
0x46: {  	_ =	shalt  }
0x47: {  	_ =	shalt  }
0x48: {  	_ =	shalt  }
0x49: {  	_ =	shalt  }
0x4a: {  	_ =	shalt  }
0x4b: {  	_ =	shalt  }
0x4c: {  	_ =	shalt  }
0x4d: {  	_ =	shalt  }
0x4e: {  	_ =	shalt  }
0x4f: {  	_ =	shalt  }
0x50: {  	_ =	shalt  }
0x51: {  	_ =	shalt  }
0x52: {  	_ =	shalt  }
0x53: {  	_ =	shalt  }
0x54: {  	_ =	shalt  }
0x55: {  	_ =	shalt  }
0x56: {  	_ =	shalt  }
0x57: {  	_ =	shalt  }
0x58: {  	_ =	shalt  }
0x59: {  	_ =	shalt  }
0x5a: {  	_ =	shalt  }
0x5b: {  	_ =	shalt  }
0x5c: {  	_ =	shalt  }
0x5d: {  	_ =	shalt  }
0x5e: {  	_ =	shalt  }
0x5f: {  	_ =	shalt  }
0x60: {  	_ =	shalt  }
0x61: {  	_ =	shalt  }
0x62: {  	_ =	shalt  }
0x63: {  	_ =	shalt  }
0x64: {  	_ =	shalt  }
0x65: {  	_ =	shalt  }
0x66: {  	_ =	shalt  }
0x67: {  	_ =	shalt  }
0x68: {  	_ =	shalt  }
0x69: {  	_ =	shalt  }
0x6a: {  	_ =	shalt  }
0x6b: {  	_ =	shalt  }
0x6c: {  	_ =	shalt  }
0x6d: {  	_ =	shalt  }
0x6e: {  	_ =	shalt  }
0x6f: {  	_ =	shalt  }
0x70: {  	_ =	shalt  }
0x71: {  	_ =	shalt  }
0x72: {  	_ =	shalt  }
0x73: {  	_ =	shalt  }
0x74: {  	_ =	shalt  }
0x75: {  	_ =	shalt  }
0x76: {  	_ =	shalt  }
0x77: {  	_ =	shalt  }
0x78: {  	_ =	shalt  }
0x79: {  	_ =	shalt  }
0x7a: {  	_ =	shalt  }
0x7b: {  	_ =	shalt  }
0x7c: {  	_ =	shalt  }
0x7d: {  	_ =	shalt  }
0x7e: {  	_ =	shalt  }
0x7f: {  	_ =	shalt  }
0x80: {  	_ =	shalt  }
0x81: {  	_ =	shalt  }
0x82: {  	_ =	shalt  }
0x83: {  	_ =	shalt  }
0x84: {  	_ =	shalt  }
0x85: {  	_ =	shalt  }
0x86: {  	_ =	shalt  }
0x87: {  	_ =	shalt  }
.Lfunc_end0:
.L_simem_size_0:
called_computation_lowered:
.L_overlay_start_0:
0x88: {  	s2 =	sld [smem:$0x3FD9]  }
0x89: {  	s3 =	sld [smem:$0x3FFE];
	_ =	sdelay $0x1  }
0x8a: {  	s1 =	srdreg.scid  }
0x8b: {  	s0 =	sand.u32 $0x1, s1  }
0x8c: {  	s14 =	sshll.u32 s0, $0xA;
	s2 =	sadd.s32 s3, s2  }
0x8d: {  	s2 =	sadd.s32 s2, s14  }
0x8e: {  	[smem:$0x3FC5] =	sst s2  }
0x8f: {  	_ = 	snop  }
0x90: {  	s2 =	sld [smem:$0x3FD0];
	_ =	sdelay $0x2  }
0x91: {  	s15 =	simm.s32 $0xA;
	s4 =	simm.s32 $0x10  }
0x92: {  	[smem:s4], [sflag:s15] =	dma.local [hbm:s2], $0x1  }
0x93: {  	_ =	swait.eq [sflag:s15], $0x1  }
0x94: {  	[sflag:s15] =	ssyncset.done $0x0  }
0x95: {  	s16 =	sld [smem:$0x10];
	[sflag:s15] =	ssyncadd.s32 $0xFFFFFFFF  }
0x96: {  	s17 =	sld [smem:$0x11];
	(tm) =	ssettm $0x1  }
0x97: {  	s18 =	sld [smem:$0x3FFB];
	_ =	sdelay $0x3  }
0x98: {  	_ =	strace s18  }
0x99: {  	s4 =	sld [smem:$0x3FFC];
	_ =	sdelay $0x3  }
0x9a: {  	_ =	strace s4  }
0x9b: {  	s4 =	sld [smem:$0x3FFD];
	_ =	sdelay $0x3  }
0x9c: {  	_ =	strace s4  }
0x9d: {  	_ =	strace $0x8FFFFFFF  }
0x9e: {  	s19 =	sld [smem:$0x3FDB];
	_ =	sdelay $0x1  }
0x9f: {  	s5 =	simm.s32 $_scs_section_size  }
0xa0: {  	s6 =	simm.s32 $_size__tile_overlayer_lowered;
	s7 =	simm.s32 $_tile_overlayer_lowered  }
0xa1: {  	s22 =	simm.s32 $0x1BFF;
	s21 =	sshll.u32 s7, $0x1;
	s4 =	sadd.s32 s5, s19  }
0xa2: {  	s8 =	simm.s32 $0x0;
	s20 =	sshll.u32 s6, $0x1;
	s6 =	sadd.s32 s21, s4  }
0xa3: {  	[timem:s8], [sflag:s22] =	dma.local [hbm:s6], s20  }
0xa4: {  	_ =	swait.ge [sflag:s22], s20  }
0xa5: {  	s5 =	ssub.s32 $0x0, s20;
	[sflag:s22] =	ssyncset.done $0x0  }
0xa6: {  	[sflag:s22] =	ssyncadd.s32 s5;
	_ =	sdelay $0x1  }
0xa7: {  	s23 =	simm.s32 $0x1B8B  }
0xa8: {  	_ =	swait.ge [sflag:s23], $0x1  }
0xa9: {  	[sflag:s23] =	ssyncset.done $0x0  }
0xaa: {  	s25 =	simm.s32 $0x1B8E;
	s24 =	sld [smem:$0x3FFE];
	[sflag:s23] =	ssyncadd.s32 $0xFFFFFFFF  }
0xab: {  	s26 =	simm.s32 $execute0_lowered;
	[smem:$0x3FD2] =	sst s25  }
0xac: {  	s6 =	sshll.u32 s26, $0x1;
	_ =	strace $0x80000046;
	[dreg:$0x1] =	wrdreg $0xFFFFFFFF  }
0xad: {  	s28 =	simm.s32 $_size_execute0_lowered;
	s4 =	sadd.s32 s4, s6;
	[dreg:$0x0] =	wrdreg $0x0  }
0xae: {  	s6 =	sshll.u32 s28, $0x1;
	[dreg:$0x2] =	wrdreg s4  }
0xaf: {  	[dreg:$0x3] =	wrdreg s6  }
0xb0: {  	[dreg:$0x4] =	wrdreg $0xC0  }
0xb1: {  	_ =	task [dreg:s8], $0x5FFFF  }
0xb2: {  	[dreg:$0x1] =	wrdreg $0xFFFFFFFF  }
0xb3: {  	[dreg:$0x0] =	wrdreg $0x60  }
0xb4: {  	[dreg:$0x2] =	wrdreg s24  }
0xb5: {  	[dreg:$0x3] =	wrdreg s16  }
0xb6: {  	[dreg:$0x4] =	wrdreg s17  }
0xb7: {  	[dreg:$0x5] =	wrdreg $0x9  }
0xb8: {  	_ =	task.clear_ibuf [dreg:s8], $0x6FFFF;
	_ =	strace $0x90000046  }
0xb9: {  	s29 =	simm.s32 $0x9;
	_ =	strace $0x80000048  }
0xba: {  	_ =	swait.ge [sflag:s29], $0x1  }
0xbb: {  	[sflag:s29] =	ssyncadd.s32 $0xFFFFFFFF  }
0xbc: {  	_ =	strace $0x90000048  }
0xbd: {  	_ =	sfence  }
0xbe: {  	s30 =	sld [smem:$0x0];
	_ =	sdelay $0x2  }
0xbf: {  	s31 =	sshll.u32 s1, $0xD;
	s1 =	sshrl.u32 s1, $0x2  }
0xc0: {  	s3 =	sand.u32 $0x4000, s31;
	s1 =	sadd.s32 s1, s30  }
0xc1: {  	s0 =	sor.u32 s3, s0;
	s1 =	sshll.u32 s1, $0x11  }
0xc2: {  	s0 =	sor.u32 s1, s0  }
0xc3: {  	s0 =	sadd.s32 $0x8F2B, s0  }
0xc4: {  	[sflag:s0] =	ssyncadd.remote.s32 $0x1  }
0xc5: {  	_ =	sfence.sel $0xFFFF  }
0xc6: {  	[dreg:$0x0] =	wrdreg $0xFFFFFFFF;
	(pc) =	sbr.abs _section_cstart, $3  }
0xc7: {  	[dreg:$0x1] =	wrdreg $0xFFFFFFFF  }
0xc8: {  	_ =	task.clear_ibuf [dreg:s8], $0x2FFFF;
	_ =	strace $0x9FFFFFFF  }
0xc9: {  	(tm) =	ssettm $0x7FFFFFFF  }
tec
execute0_lowered:
.L_overlay_start_1:
0x0: {  	(tag) =	ssettag $0x1  }
0x1: {  	s0 =	rddreg [dreg:$0x0]  }
0x2: {  	s1 =	rddreg [dreg:$0x1]  }
0x3: {  	s7 =	rddreg [dreg:$0x2]  }
0x4: {  	s2 =	simm.s32 $0x0;
	s3 =	srdreg.scid;
	s4 =	stileid.u32  }
0x5: {  	s9 =	simm.s32 $0x1;
	s10 =	simm.s32 $0x80;
	s11 =	simm.s32 $0x100  }
0x6: {  	s14 =	simm.s32 $0x1000;
	s31 =	simm.s32 $0x1200;
	s3 =	sand.u32 $0x1, s3  }
0x7: {  	s16 =	simm.s32 $0x0;
	s4 =	sshll.u32 s4, $0xA;
	s5 =	sshll.u32 s3, $0x9  }
0x8: {  	[smem:$0x7FF] =	sst s2;
	s3 =	ssub.s32 $0x2, s3;
	s4 =	sor.u32 s5, s4  }
0x9: {  	_ =	strace $0x80000047;
	s29 =	sshrl.u32 s3, $0x1;
	s0 =	sadd.s32 s4, s0  }
0xa: {  	s8 =	ssub.s32 s3, s29;
	s6 =	sshrl.u32 s4, $0x2;
	s3 =	sadd.s32 $0xC00, s0  }
0xb: {  	s4 =	sadd.s32 s1, s6;
	s30 =	sor.u32 $0x10, s6;
	s6 =	sadd.s32 s7, s6  }
0xc: {  	v0 =	vimm.s32 $0x7;
	s8 =	smax.u32 s8, $0x1;
	s5 =	sadd.s32 s1, s30;
	s7 =	sadd.s32 s7, s30  }
.LBB2_1:
0xd: {  	[tilespmem:s2], [sflag:$0x1] =	stream.linear.gather [hbm4b:s3+s2], $0x1000, $0x38;
	[tilespmem:$0x1800] =	vst v63  }
0xe: {  	s0 =	sand.u32 $0x40, s2;
	_ =	swait.ge [sflag:s9], $0x1000  }
0xf: {  	s1 =	sand.u32 $0xC00, s2;
	s18 =	sor.u32 $0x30, s0;
	[sflag:s9] =	ssyncset.done $0x0  }
0x10: {  	s12 =	sor.u32 s18, s1;
	[sflag:s9] =	ssyncadd.s32 $0xFFFFF000  }
0x11: {  	v4 =	vld [tilespmem:s12+$0x0]  }
0x12: {  	v5 =	vld [tilespmem:s12+$0x80]  }
0x13: {  	v17 =	vld [tilespmem:s12+$0x100]  }
0x14: {  	v26 =	vld [tilespmem:s12+$0x180]  }
0x15: {  	v32 =	vld [tilespmem:s12+$0x200]  }
0x16: {  	v36 =	vld [tilespmem:s12+$0x280]  }
0x17: {  	s17 =	sor.u32 $0x10, s0;
	v16 =	vld [tilespmem:s12+$0x300]  }
0x18: {  	s13 =	sor.u32 s17, s1;
	v39 =	vld [tilespmem:s12+$0x380]  }
0x19: {  	v2 =	vld [tilespmem:s13+$0x0]  }
0x1a: {  	v8 =	vld [tilespmem:s13+$0x80]  }
0x1b: {  	v11 =	vld [tilespmem:s13+$0x100]  }
0x1c: {  	v14 =	vld [tilespmem:s13+$0x180]  }
0x1d: {  	v15 =	vld [tilespmem:s13+$0x200]  }
0x1e: {  	v19 =	vld [tilespmem:s13+$0x280]  }
0x1f: {  	s19 =	sor.u32 $0x20, s0;
	v21 =	vld [tilespmem:s13+$0x300];
	v3 =	vadd.f32 v5, v4;
	v6 =	vadd.f32 v26, v17  }
0x20: {  	v22 =	vld [tilespmem:s13+$0x380];
	s13 =	sor.u32 s19, s1;
	v12 =	vadd.f32 v36, v32;
	v13 =	vadd.f32 v39, v16  }
0x21: {  	v29 =	vld [tilespmem:s13+$0x300]  }
0x22: {  	v30 =	vld [tilespmem:s13+$0x380];
	v7 =	vmax.f32 v3, v6;
	v9 =	vmax.f32 v12, v13  }
0x23: {  	v20 =	vmax.f32 v7, v9  }
0x24: {  	v1 =	vimm.s32 $0x3;
	v23 =	vadd.f32 v8, v2;
	vm0 =	veq.f32 v12, v20  }
0x25: {  	v31 =	vadd.f32 v14, v11;
	v10 =	vsel vm0, $0x2, v1;
	vm0 =	veq.f32 v6, v20  }
0x26: {  	v24 =	vadd.f32 v19, v15;
	v7 =	vld [tilespmem:s13+$0x0];
	vm2 =	veq.f32 v3, v20;
	v18 =	vsel vm0, $0x1, v10  }
0x27: {  	v38 =	vadd.f32 v22, v21;
	v52 =	vadd.f32 v30, v29;
	v9 =	vld [tilespmem:s13+$0x80];
	v25 =	vsel vm2, $0x0, v18  }
0x28: {  	v40 =	vmax.f32 v23, v31;
	vm3 =	vne.f32 v3, v20;
	vm1 =	veq.s32 v25, $0x2  }
0x29: {  	v28 =	vsel vm2, $0xFF800000, v3;
	vm3 =	vmand vm3, vm0;
	v33 =	vsel vm1, $0xFF800000, v12  }
0x2a: {  	v34 =	vsel vm3, $0xFF800000, v6;
	vm0 =	veq.s32 v25, $0x3;
	v3 =	vmax.f32 v33, v13  }
0x2b: {  	v27 =	vld [tilespmem:s13+$0x280];
	v41 =	vmax.f32 v24, v38;
	v13 =	vmax.f32 v28, v34;
	v3 =	vsel vm0, v12, v3  }
0x2c: {  	v40 =	vmax.f32 v40, v41;
	v20 =	vld [tilespmem:s13+$0x200];
	v6 =	vadd.f32 v9, v7;
	v13 =	vmax.f32 v13, v3  }
0x2d: {  	v10 =	vld [tilespmem:s13+$0x100];
	vm4 =	veq.f32 v33, v13;
	vm5 =	veq.f32 v34, v13;
	vm6 =	veq.f32 v28, v13  }
0x2e: {  	s0 =	sor.u32 s0, s1;
	v18 =	vld [tilespmem:s13+$0x180];
	v25 =	vsel vm4, $0x2, v1;
	vm4 =	vne.f32 v28, v13;
	vm2 =	vmor vm2, vm6  }
0x2f: {  	v12 =	vld [tilespmem:s0+$0x80];
	v28 =	vsel vm5, $0x1, v25;
	v42 =	vnsel vm2, $0x0, v4;
	vm4 =	vmand vm4, vm5  }
0x30: {  	v3 =	vld [tilespmem:s0+$0x0];
	v43 =	vnsel vm2, $0x0, v5;
	v35 =	vsel vm6, $0x0, v28;
	vm2 =	vmor vm3, vm4  }
0x31: {  	v33 =	vld [tilespmem:s0+$0x280];
	v61 =	vmax.f32 v42, v43;
	v44 =	vnsel vm2, $0x0, v17;
	vm3 =	veq.s32 v35, $0x2  }
0x32: {  	v13 =	vld [tilespmem:s0+$0x100];
	v45 =	vnsel vm2, $0x0, v26;
	vm1 =	vmor vm1, vm3;
	v37 =	vmax.f32 v61, v44  }
0x33: {  	v25 =	vld [tilespmem:s0+$0x180];
	vm2 =	veq.s32 v35, $0x3;
	v46 =	vnsel vm1, $0x0, v32;
	v37 =	vmax.f32 v37, v45  }
0x34: {  	v34 =	vld [tilespmem:s0+$0x300];
	vm0 =	vmor vm0, vm2;
	v47 =	vnsel vm1, $0x0, v36;
	v37 =	vmax.f32 v37, v46  }
0x35: {  	v48 =	vadd.f32 v18, v10;
	v28 =	vld [tilespmem:s0+$0x200];
	v49 =	vnsel vm0, $0x0, v16;
	v50 =	vmax.f32 v37, v47  }
0x36: {  	vm10 =	veq.f32 v31, v40;
	v35 =	vld [tilespmem:s0+$0x380];
	v51 =	vnsel vm0, $0x0, v39;
	v50 =	vmax.f32 v50, v49  }
0x37: {  	v58 =	vmax.f32 v6, v48;
	v53 =	vadd.f32 v12, v3;
	v50 =	vmax.f32 v50, v51  }
0x38: {  	vm3 =	veq.f32 v24, v40;
	v54 =	vadd.f32 v25, v13;
	vm0 =	veq.f32 v49, v50  }
0x39: {  	v37 =	vadd.f32 v27, v20;
	v57 =	vsel vm0, $0x6, v0;
	vm0 =	veq.f32 v47, v50  }
0x3a: {  	v55 =	vadd.f32 v33, v28;
	v57 =	vsel vm0, $0x5, v57;
	vm0 =	veq.f32 v46, v50  }
0x3b: {  	v56 =	vadd.f32 v35, v34;
	v57 =	vsel vm0, $0x4, v57;
	vm0 =	veq.f32 v45, v50  }
0x3c: {  	v60 =	vmax.f32 v53, v54;
	v57 =	vsel vm0, $0x3, v57;
	vm0 =	veq.f32 v44, v50  }
0x3d: {  	v59 =	vmax.f32 v37, v52;
	vm1 =	veq.f32 v43, v50;
	v57 =	vsel vm0, $0x2, v57  }
0x3e: {  	v61 =	vmax.f32 v55, v56;
	vm0 =	vne.f32 v42, v50;
	v62 =	vsel vm1, $0x1, v57  }
0x3f: {  	v50 =	vmax.f32 v58, v59;
	vm1 =	vmand vm0, vm1;
	v41 =	vnsel vm0, $0x0, v62  }
0x40: {  	v42 =	vnsel vm0, $0xFF800000, v42;
	v43 =	vsel vm1, $0xFF800000, v43;
	vm2 =	veq.s32 v41, $0x2  }
0x41: {  	vm4 =	veq.s32 v41, $0x3;
	v63 =	vmax.f32 v42, v43;
	v44 =	vsel vm2, $0xFF800000, v44  }
0x42: {  	vm7 =	veq.s32 v41, $0x4;
	v45 =	vsel vm4, $0xFF800000, v45;
	v57 =	vmax.f32 v63, v44  }
0x43: {  	vm8 =	veq.s32 v41, $0x5;
	v46 =	vsel vm7, $0xFF800000, v46;
	v57 =	vmax.f32 v57, v45  }
0x44: {  	vm12 =	veq.s32 v41, $0x6;
	v47 =	vsel vm8, $0xFF800000, v47;
	v57 =	vmax.f32 v57, v46  }
0x45: {  	v58 =	vmax.f32 v60, v61;
	v49 =	vsel vm12, $0xFF800000, v49;
	v57 =	vmax.f32 v57, v47  }
0x46: {  	v59 =	vsel vm3, $0x2, v1;
	vm5 =	veq.f32 v55, v58;
	v57 =	vmax.f32 v57, v49  }
0x47: {  	vm6 =	veq.f32 v37, v50;
	vm9 =	veq.s32 v41, $0x7;
	v51 =	vmax.f32 v57, v51  }
0x48: {  	vm11 =	veq.f32 v48, v50;
	v60 =	vsel vm5, $0x2, v1;
	v51 =	vsel vm9, v57, v51  }
0x49: {  	vm5 =	veq.f32 v23, v40;
	[tilespmem:$0x1FE00] =	vst v41;
	v41 =	vsel vm6, $0x2, v1;
	vm3 =	veq.f32 v49, v51  }
0x4a: {  	vm6 =	veq.f32 v6, v50;
	v49 =	vsel vm3, $0x6, v0;
	vm3 =	veq.f32 v47, v51  }
0x4b: {  	v63 =	vsel vm12, v16, v39;
	v47 =	vsel vm3, $0x5, v49;
	vm3 =	veq.f32 v46, v51  }
0x4c: {  	vm9 =	veq.f32 v54, v58;
	v47 =	vsel vm3, $0x4, v47;
	vm3 =	veq.f32 v45, v51  }
0x4d: {  	v57 =	vsel vm11, $0x1, v41;
	v47 =	vsel vm3, $0x3, v47;
	vm3 =	veq.f32 v44, v51  }
0x4e: {  	vm13 =	veq.f32 v43, v51;
	vm14 =	vne.f32 v42, v51;
	v47 =	vsel vm3, $0x2, v47  }
0x4f: {  	v49 =	vsel vm10, $0x1, v59;
	v59 =	vsel vm9, $0x1, v60;
	v43 =	vsel vm13, $0x1, v47  }
0x50: {  	v46 =	vsel vm8, v36, v63;
	vm3 =	veq.f32 v53, v58;
	v60 =	vnsel vm14, $0x0, v43  }
0x51: {  	v61 =	vsel vm5, $0x0, v49;
	v62 =	vsel vm3, $0x0, v59;
	vm15 =	veq.s32 v60, $0x6  }
0x52: {  	v47 =	vsel vm7, v32, v46;
	vm12 =	veq.s32 v60, $0x5;
	v16 =	vsel vm15, v16, v39  }
0x53: {  	v49 =	vsel vm4, v26, v47;
	vm8 =	veq.s32 v60, $0x4;
	v16 =	vsel vm12, v36, v16  }
0x54: {  	vm7 =	veq.s32 v60, $0x3;
	vm4 =	veq.s32 v60, $0x2;
	v16 =	vsel vm8, v32, v16  }
0x55: {  	v32 =	vsel vm2, v17, v49;
	vm2 =	vmand vm14, vm13;
	v16 =	vsel vm7, v26, v16  }
0x56: {  	vm8 =	veq.s32 v62, $0x2;
	v26 =	vsel vm6, $0x0, v57;
	v16 =	vsel vm4, v17, v16  }
0x57: {  	vm4 =	veq.s32 v61, $0x2;
	v17 =	vsel vm1, v5, v32;
	vm7 =	veq.s32 v26, $0x2  }
0x58: {  	vm1 =	vne.f32 v53, v58;
	v5 =	vsel vm2, v5, v16;
	v16 =	vsel vm0, v17, v4  }
0x59: {  	vm0 =	vne.f32 v23, v40;
	vm2 =	vne.f32 v6, v50;
	vm9 =	vmand vm1, vm9  }
0x5a: {  	vm1 =	veq.s32 v61, $0x3;
	v23 =	vsel vm5, $0xFF800000, v23;
	v6 =	vsel vm6, $0xFF800000, v6  }
0x5b: {  	[tilespmem:$0x1FCE0] =	vst v16;
	v4 =	vsel vm14, v5, v4;
	v5 =	vsel vm8, $0xFF800000, v55;
	v16 =	vsel vm7, $0xFF800000, v37  }
0x5c: {  	vm12 =	vmand vm0, vm10;
	vm10 =	vmand vm2, vm11;
	vm0 =	veq.s32 v62, $0x3  }
0x5d: {  	vm2 =	veq.s32 v26, $0x3;
	v26 =	vsel vm9, $0xFF800000, v54;
	v54 =	vsel vm3, $0xFF800000, v53  }
0x5e: {  	[tilespmem:$0x1FCF0] =	vst v4;
	v4 =	vsel vm4, $0xFF800000, v24;
	v17 =	vmax.f32 v5, v56;
	v51 =	vmax.f32 v16, v52  }
0x5f: {  	v31 =	vsel vm12, $0xFF800000, v31;
	v52 =	vsel vm10, $0xFF800000, v48;
	v57 =	vmax.f32 v54, v26  }
0x60: {  	v50 =	vmax.f32 v4, v38;
	v17 =	vsel vm0, v55, v17;
	v55 =	vsel vm2, v37, v51  }
0x61: {  	v56 =	vmax.f32 v23, v31;
	v58 =	vmax.f32 v6, v52;
	v24 =	vsel vm1, v24, v50  }
0x62: {  	v17 =	vmax.f32 v57, v17;
	v32 =	vmax.f32 v58, v55;
	v57 =	vimm.s32 $0x0  }
0x63: {  	v58 =	vimm.s32 $0x0;
	v24 =	vmax.f32 v56, v24;
	vm13 =	veq.f32 v5, v17  }
0x64: {  	vm14 =	veq.f32 v16, v32;
	vm15 =	vne.f32 v6, v32;
	vm11 =	veq.f32 v4, v24  }
0x65: {  	v5 =	vsel vm14, $0x2, v1;
	v16 =	vsel vm13, $0x2, v1;
	vm13 =	vne.f32 v23, v24  }
0x66: {  	vm14 =	veq.f32 v52, v32;
	v4 =	vsel vm11, $0x2, v1;
	vm11 =	veq.f32 v31, v24  }
0x67: {  	v5 =	vsel vm14, $0x1, v5;
	vm14 =	vmand vm15, vm14;
	vm15 =	vne.f32 v54, v17  }
0x68: {  	v4 =	vsel vm11, $0x1, v4;
	vm11 =	vmand vm13, vm11;
	vm13 =	veq.f32 v26, v17  }
0x69: {  	v16 =	vsel vm13, $0x1, v16;
	vm13 =	vmand vm15, vm13;
	vm15 =	veq.f32 v23, v24  }
0x6a: {  	vm5 =	vmor vm5, vm15;
	v4 =	vsel vm15, $0x0, v4;
	vm15 =	veq.f32 v6, v32  }
0x6b: {  	vm6 =	vmor vm6, vm15;
	v5 =	vsel vm15, $0x0, v5;
	vm15 =	veq.f32 v54, v17  }
0x6c: {  	v17 =	vnsel vm5, $0x0, v8;
	vm3 =	vmor vm3, vm15;
	v6 =	vsel vm15, $0x0, v16  }
0x6d: {  	v16 =	vnsel vm5, $0x0, v2;
	vm5 =	vmor vm12, vm11;
	v23 =	vnsel vm6, $0x0, v7  }
0x6e: {  	v24 =	vnsel vm6, $0x0, v9;
	vm6 =	vmor vm9, vm13;
	vm9 =	veq.s32 v4, $0x2  }
0x6f: {  	v26 =	vnsel vm3, $0x0, v3;
	v31 =	vnsel vm3, $0x0, v12;
	vm3 =	vmor vm10, vm14  }
0x70: {  	vm10 =	veq.s32 v5, $0x2;
	vm11 =	veq.s32 v6, $0x2;
	v36 =	vnsel vm5, $0x0, v11  }
0x71: {  	[tilespmem:$0x1FDF0] =	vst v60;
	v59 =	vmax.f32 v16, v17;
	v37 =	vnsel vm6, $0x0, v13;
	v60 =	vmax.f32 v23, v24  }
0x72: {  	vm4 =	vmor vm4, vm9;
	v42 =	vnsel vm5, $0x0, v14;
	v44 =	vnsel vm6, $0x0, v25  }
0x73: {  	vm5 =	veq.s32 v5, $0x3;
	vm6 =	veq.s32 v6, $0x3;
	v39 =	vnsel vm3, $0x0, v10  }
0x74: {  	v61 =	vmax.f32 v26, v31;
	vm7 =	vmor vm7, vm10;
	vm8 =	vmor vm8, vm11  }
0x75: {  	v32 =	vmax.f32 v59, v36;
	v43 =	vnsel vm3, $0x0, v18;
	v45 =	vnsel vm4, $0x0, v15  }
0x76: {  	vm3 =	veq.s32 v4, $0x3;
	vm2 =	vmor vm2, vm5;
	vm0 =	vmor vm0, vm6  }
0x77: {  	v59 =	vimm.s32 $0x0;
	v38 =	vmax.f32 v60, v39;
	v40 =	vmax.f32 v61, v37  }
0x78: {  	v46 =	vnsel vm7, $0x0, v20;
	v47 =	vnsel vm8, $0x0, v28;
	v32 =	vmax.f32 v32, v42  }
0x79: {  	v48 =	vnsel vm7, $0x0, v27;
	v49 =	vnsel vm8, $0x0, v33;
	vm1 =	vmor vm1, vm3  }
0x7a: {  	v51 =	vnsel vm2, $0x0, v29;
	v52 =	vnsel vm0, $0x0, v34;
	v54 =	vnsel vm2, $0x0, v30  }
0x7b: {  	v55 =	vnsel vm0, $0x0, v35;
	v38 =	vmax.f32 v38, v43;
	v40 =	vmax.f32 v40, v44  }
0x7c: {  	v4 =	vmax.f32 v32, v45;
	v50 =	vnsel vm1, $0x0, v21;
	v53 =	vnsel vm1, $0x0, v22  }
0x7d: {  	v5 =	vmax.f32 v38, v46;
	v6 =	vmax.f32 v40, v47;
	v40 =	vnsel vm4, $0x0, v19  }
0x7e: {  	v4 =	vmax.f32 v4, v40;
	v5 =	vmax.f32 v5, v48;
	v6 =	vmax.f32 v6, v49  }
0x7f: {  	v4 =	vmax.f32 v4, v50;
	v5 =	vmax.f32 v5, v51;
	v6 =	vmax.f32 v6, v52  }
0x80: {  	v4 =	vmax.f32 v4, v53;
	v5 =	vmax.f32 v5, v54;
	v6 =	vmax.f32 v6, v55  }
0x81: {  	vm0 =	veq.f32 v50, v4;
	vm1 =	veq.f32 v51, v5;
	vm2 =	veq.f32 v52, v6  }
0x82: {  	vm5 =	vne.f32 v16, v4;
	vm4 =	vne.f32 v23, v5;
	vm3 =	vne.f32 v26, v6  }
0x83: {  	v62 =	vsel vm0, $0x6, v0;
	v63 =	vsel vm1, $0x6, v0;
	v41 =	vsel vm2, $0x6, v0  }
0x84: {  	vm0 =	veq.f32 v40, v4;
	vm1 =	veq.f32 v48, v5;
	vm2 =	veq.f32 v49, v6  }
0x85: {  	v16 =	vnsel vm5, $0xFF800000, v16;
	v23 =	vnsel vm4, $0xFF800000, v23;
	v32 =	vsel vm0, $0x5, v62  }
0x86: {  	v38 =	vsel vm1, $0x5, v63;
	v56 =	vsel vm2, $0x5, v41;
	vm0 =	veq.f32 v45, v4  }
0x87: {  	vm1 =	veq.f32 v46, v5;
	vm2 =	veq.f32 v47, v6;
	v63 =	vimm.s32 $0x0  }
0x88: {  	v32 =	vsel vm0, $0x4, v32;
	v38 =	vsel vm1, $0x4, v38;
	v56 =	vsel vm2, $0x4, v56  }
0x89: {  	vm0 =	veq.f32 v42, v4;
	vm1 =	veq.f32 v43, v5;
	vm2 =	veq.f32 v44, v6  }
0x8a: {  	v32 =	vsel vm0, $0x3, v32;
	v38 =	vsel vm1, $0x3, v38;
	vm0 =	veq.f32 v36, v4  }
0x8b: {  	v56 =	vsel vm2, $0x3, v56;
	v32 =	vsel vm0, $0x2, v32;
	vm0 =	veq.f32 v17, v4  }
0x8c: {  	vm1 =	veq.f32 v39, v5;
	v4 =	vimm.s32 $0x0;
	vm6 =	vmand vm5, vm0  }
0x8d: {  	vm2 =	veq.f32 v37, v6;
	v38 =	vsel vm1, $0x2, v38;
	v4 =	vsel vm6, $0xFFFFFFFF, v4  }
0x8e: {  	v56 =	vsel vm2, $0x2, v56;
	vm1 =	veq.f32 v24, v5;
	[tilespmem:$0x1FB90] =	vst v4;
	v4 =	vimm.s32 $0x0  }
0x8f: {  	vm2 =	veq.f32 v31, v6;
	v32 =	vsel vm0, $0x1, v32;
	v4 =	vsel vm5, $0xFFFFFFFF, v4  }
0x90: {  	v38 =	vsel vm1, $0x1, v38;
	vm1 =	vmand vm4, vm1;
	[tilespmem:$0x1FBC0] =	vst v4;
	v4 =	vimm.s32 $0x0  }
0x91: {  	v56 =	vsel vm2, $0x1, v56;
	vm0 =	vmand vm3, vm2;
	v4 =	vsel vm1, $0xFFFFFFFF, v4  }
0x92: {  	v32 =	vnsel vm5, $0x0, v32;
	v38 =	vnsel vm4, $0x0, v38;
	[tilespmem:$0x1FBA0] =	vst v4;
	v4 =	vimm.s32 $0x0  }
0x93: {  	v6 =	vnsel vm3, $0x0, v56;
	v5 =	vsel vm1, $0xFF800000, v24;
	v4 =	vsel vm4, $0xFFFFFFFF, v4  }
0x94: {  	v24 =	vnsel vm3, $0xFF800000, v26;
	vm8 =	veq.s32 v32, $0x2;
	[tilespmem:$0x1FBD0] =	vst v4;
	v4 =	vimm.s32 $0x0  }
0x95: {  	vm7 =	veq.s32 v38, $0x2;
	vm2 =	veq.s32 v6, $0x2;
	v4 =	vsel vm0, $0xFFFFFFFF, v4  }
0x96: {  	v61 =	vmax.f32 v23, v5;
	vm15 =	veq.s32 v32, $0x4;
	[tilespmem:$0x1FBB0] =	vst v4;
	v4 =	vimm.s32 $0x0  }
0x97: {  	vm10 =	veq.s32 v38, $0x4;
	v26 =	vsel vm8, $0xFF800000, v36;
	v4 =	vsel vm3, $0xFFFFFFFF, v4  }
0x98: {  	v36 =	vsel vm2, $0xFF800000, v37;
	v45 =	vsel vm15, $0xFF800000, v45;
	[tilespmem:$0x1FBE0] =	vst v4;
	v4 =	vimm.s32 $0x0  }
0x99: {  	v46 =	vsel vm10, $0xFF800000, v46;
	vm5 =	veq.s32 v6, $0x5;
	v4 =	vsel vm8, $0xFFFFFFFF, v4  }
0x9a: {  	v49 =	vsel vm5, $0xFF800000, v49;
	vm1 =	veq.s32 v38, $0x3;
	[tilespmem:$0x1FB60] =	vst v4;
	v4 =	vimm.s32 $0x0  }
0x9b: {  	v43 =	vsel vm1, $0xFF800000, v43;
	vm4 =	veq.s32 v38, $0x5;
	v4 =	vsel vm7, $0xFFFFFFFF, v4  }
0x9c: {  	v48 =	vsel vm4, $0xFF800000, v48;
	vm3 =	veq.s32 v32, $0x6;
	[tilespmem:$0x1FB70] =	vst v4;
	v4 =	vimm.s32 $0x0  }
0x9d: {  	v50 =	vsel vm3, $0xFF800000, v50;
	vm8 =	veq.s32 v32, $0x5;
	v4 =	vsel vm2, $0xFFFFFFFF, v4  }
0x9e: {  	v40 =	vsel vm8, $0xFF800000, v40;
	vm2 =	veq.s32 v32, $0x3;
	[tilespmem:$0x1FB80] =	vst v4;
	v4 =	vsel vm6, $0xFF800000, v17  }
0x9f: {  	v17 =	vsel vm0, $0xFF800000, v31;
	v31 =	vsel vm7, $0xFF800000, v39;
	v37 =	vsel vm2, $0xFFFFFFFF, v57  }
0xa0: {  	vm0 =	veq.s32 v6, $0x3;
	v42 =	vsel vm2, $0xFF800000, v42;
	vm2 =	veq.s32 v6, $0x6  }
0xa1: {  	vm6 =	veq.s32 v32, $0x7;
	vm7 =	veq.s32 v6, $0x7;
	[tilespmem:$0x1FB30] =	vst v37;
	v37 =	vsel vm1, $0xFFFFFFFF, v58  }
0xa2: {  	v60 =	vmax.f32 v16, v4;
	v62 =	vmax.f32 v24, v17;
	v39 =	vmax.f32 v61, v31  }
0xa3: {  	v44 =	vsel vm0, $0xFF800000, v44;
	vm1 =	veq.s32 v38, $0x6;
	v52 =	vsel vm2, $0xFF800000, v52  }
0xa4: {  	[tilespmem:$0x1FB40] =	vst v37;
	v37 =	vsel vm0, $0xFFFFFFFF, v59;
	v56 =	vmax.f32 v62, v36;
	vm0 =	veq.s32 v6, $0x4  }
0xa5: {  	v39 =	vmax.f32 v39, v43;
	v51 =	vsel vm1, $0xFF800000, v51;
	[tilespmem:$0x1FB50] =	vst v37;
	v37 =	vmax.f32 v60, v26  }
0xa6: {  	v41 =	vsel vm0, $0xFFFFFFFF, v63;
	v56 =	vmax.f32 v56, v44;
	v37 =	vmax.f32 v37, v42  }
0xa7: {  	v47 =	vsel vm0, $0xFF800000, v47;
	v39 =	vmax.f32 v39, v46;
	v37 =	vmax.f32 v37, v45  }
0xa8: {  	v56 =	vmax.f32 v56, v47;
	v39 =	vmax.f32 v39, v48;
	v37 =	vmax.f32 v37, v40  }
0xa9: {  	v56 =	vmax.f32 v56, v49;
	v39 =	vmax.f32 v39, v51;
	v37 =	vmax.f32 v37, v50  }
0xaa: {  	[tilespmem:$0x1FE10] =	vst v32;
	v32 =	vmax.f32 v56, v52;
	v54 =	vmax.f32 v39, v54;
	v53 =	vmax.f32 v37, v53  }
0xab: {  	v55 =	vmax.f32 v32, v55;
	v37 =	vsel vm6, v37, v53;
	vm6 =	veq.s32 v38, $0x7  }
0xac: {  	v53 =	vsel vm7, v32, v55;
	v39 =	vsel vm6, v39, v54;
	vm6 =	veq.f32 v50, v37  }
0xad: {  	vm7 =	veq.f32 v52, v53;
	vm9 =	veq.f32 v17, v53;
	vm14 =	vne.f32 v16, v37  }
0xae: {  	vm12 =	vne.f32 v24, v53;
	v50 =	vsel vm6, $0x6, v0;
	vm6 =	veq.f32 v51, v39  }
0xaf: {  	v52 =	vsel vm7, $0x6, v0;
	vm7 =	veq.f32 v49, v53;
	vm13 =	vne.f32 v23, v39  }
0xb0: {  	v51 =	vsel vm6, $0x6, v0;
	vm6 =	veq.f32 v40, v37;
	v49 =	vsel vm7, $0x5, v52  }
0xb1: {  	vm7 =	veq.f32 v47, v53;
	v40 =	vsel vm6, $0x5, v50;
	vm6 =	veq.f32 v48, v39  }
0xb2: {  	v54 =	vsel vm7, $0x4, v49;
	v48 =	vsel vm6, $0x5, v51;
	vm6 =	veq.f32 v45, v37  }
0xb3: {  	vm7 =	veq.f32 v44, v53;
	v40 =	vsel vm6, $0x4, v40;
	vm6 =	veq.f32 v46, v39  }
0xb4: {  	v56 =	vsel vm7, $0x3, v54;
	v52 =	vsel vm6, $0x4, v48;
	vm6 =	veq.f32 v42, v37  }
0xb5: {  	vm7 =	veq.f32 v36, v53;
	v40 =	vsel vm6, $0x3, v40;
	vm6 =	veq.f32 v43, v39  }
0xb6: {  	s21 =	simm.s32 $0x40;
	v36 =	vsel vm7, $0x2, v56;
	v55 =	vsel vm6, $0x3, v52;
	vm6 =	veq.f32 v26, v37  }
0xb7: {  	s24 =	simm.s32 $0x200;
	s20 =	sand.u32 $0x40, s21;
	[tilespmem:$0x1FE20] =	vst v38;
	v17 =	vsel vm9, $0x1, v36;
	v26 =	vsel vm6, $0x2, v40;
	vm6 =	veq.f32 v31, v39  }
0xb8: {  	s22 =	sor.u32 $0x30, s20;
	s1 =	sand.u32 $0xC00, s24;
	[tilespmem:$0x1FF40] =	vst v6;
	v6 =	vnsel vm12, $0x0, v17;
	v31 =	vsel vm6, $0x2, v55;
	vm6 =	veq.f32 v4, v37  }
0xb9: {  	s25 =	sor.u32 s22, s1;
	[tilespmem:$0x1FB20] =	vst v41;
	vm7 =	veq.f32 v5, v39;
	vm0 =	veq.s32 v6, $0x6;
	v26 =	vsel vm6, $0x1, v26  }
0xba: {  	v47 =	vld [tilespmem:s25+$0x300];
	v23 =	vsel vm0, v34, v35;
	v5 =	vsel vm7, $0x1, v31;
	v26 =	vnsel vm14, $0x0, v26  }
0xbb: {  	v44 =	vld [tilespmem:s25+$0x180];
	v31 =	vnsel vm13, $0x0, v5;
	vm11 =	veq.s32 v26, $0x6;
	vm0 =	veq.s32 v26, $0x5  }
0xbc: {  	v45 =	vld [tilespmem:s25+$0x0];
	v16 =	vsel vm11, v21, v22;
	vm11 =	veq.s32 v31, $0x6;
	v21 =	vsel vm3, v21, v22  }
0xbd: {  	v46 =	vld [tilespmem:s25+$0x280];
	v22 =	vsel vm1, v29, v30;
	vm1 =	veq.s32 v6, $0x5;
	v17 =	vsel vm11, v29, v30  }
0xbe: {  	v48 =	vld [tilespmem:s25+$0x380];
	v16 =	vsel vm0, v19, v16;
	vm0 =	veq.s32 v31, $0x5;
	v23 =	vsel vm1, v33, v23  }
0xbf: {  	v40 =	vld [tilespmem:s25+$0x100];
	v19 =	vsel vm8, v19, v21;
	v17 =	vsel vm0, v27, v17;
	vm0 =	veq.s32 v26, $0x4  }
0xc0: {  	v4 =	vld [tilespmem:s25+$0x80];
	v21 =	vsel vm4, v27, v22;
	vm1 =	veq.s32 v31, $0x4;
	v16 =	vsel vm0, v15, v16  }
0xc1: {  	v17 =	vsel vm1, v20, v17;
	v15 =	vsel vm15, v15, v19;
	v19 =	vsel vm10, v20, v21;
	v20 =	vld [tilespmem:$0x1FB20]  }
0xc2: {  	v5 =	vld [tilespmem:s25+$0x200];
	_ =	sdelay $0x1  }
0xc3: {  	v24 =	vsel vm2, v34, v35  }
0xc4: {  	v22 =	vsel vm5, v33, v24;
	v24 =	vadd.f32 v4, v45;
	vm0 =	veq.s32 v6, $0x4  }
0xc5: {  	v30 =	vmovc v26;
	v26 =	vadd.f32 v44, v40;
	v23 =	vsel vm0, v28, v23;
	vm0 =	vnez.u8 v20  }
0xc6: {  	v29 =	vadd.f32 v48, v47;
	v27 =	vadd.f32 v46, v5;
	v20 =	vsel vm0, v28, v22;
	v28 =	vld [tilespmem:$0x1FB30]  }
0xc7: {  	v21 =	vmax.f32 v24, v26;
	vm0 =	veq.s32 v30, $0x3  }
0xc8: {  	v22 =	vmax.f32 v27, v29;
	v16 =	vsel vm0, v14, v16;
	vm0 =	veq.s32 v31, $0x3  }
0xc9: {  	v21 =	vmax.f32 v21, v22;
	v17 =	vsel vm0, v18, v17;
	vm0 =	veq.s32 v6, $0x3  }
0xca: {  	vm1 =	veq.f32 v27, v21;
	v22 =	vsel vm0, v25, v23  }
0xcb: {  	v23 =	vsel vm1, $0x2, v1;
	vm0 =	veq.f32 v26, v21;
	vm1 =	vnez.u8 v28  }
0xcc: {  	v14 =	vsel vm1, v14, v15;
	v15 =	vsel vm0, $0x1, v23;
	v23 =	vld [tilespmem:$0x1FB40];
	_ =	sdelay $0x4  }
0xcd: {  	vm2 =	vnez.u8 v23  }
0xce: {  	v18 =	vsel vm2, v18, v19;
	v19 =	vld [tilespmem:$0x1FB50];
	_ =	sdelay $0x3  }
0xcf: {  	vm5 =	veq.s32 v6, $0x2;
	vm1 =	veq.f32 v24, v21  }
0xd0: {  	vm4 =	veq.s32 v30, $0x2;
	v15 =	vsel vm1, $0x0, v15;
	vm3 =	vnez.u8 v19  }
0xd1: {  	[tilespmem:$0x1FF50] =	vst v6;
	v6 =	vld [tilespmem:$0x1FB60];
	vm2 =	vne.f32 v24, v21;
	v19 =	vsel vm3, v25, v20;
	vm3 =	veq.s32 v15, $0x2  }
0xd2: {  	vm2 =	vmand vm2, vm0;
	vm0 =	veq.s32 v15, $0x3;
	v21 =	vsel vm3, $0xFF800000, v27  }
0xd3: {  	v23 =	vsel vm2, $0xFF800000, v26;
	v20 =	vsel vm1, $0xFF800000, v24;
	v24 =	vmax.f32 v21, v29  }
0xd4: {  	v15 =	vsel vm4, v11, v16;
	v16 =	vmax.f32 v20, v23;
	v24 =	vsel vm0, v27, v24  }
0xd5: {  	v22 =	vsel vm5, v13, v22;
	vm4 =	veq.s32 v31, $0x2;
	v16 =	vmax.f32 v16, v24  }
0xd6: {  	vm5 =	vnez.u8 v6;
	v17 =	vsel vm4, v10, v17;
	vm4 =	veq.f32 v21, v16  }
0xd7: {  	v21 =	vsel vm5, v11, v14;
	vm5 =	veq.f32 v20, v16;
	vm8 =	vne.f32 v20, v16  }
0xd8: {  	v11 =	vsel vm4, $0x2, v1;
	vm4 =	veq.f32 v23, v16;
	vm1 =	vmor vm1, vm5  }
0xd9: {  	v6 =	vld [tilespmem:$0x1FB70];
	v11 =	vsel vm4, $0x1, v11;
	vm4 =	vmand vm8, vm4;
	v16 =	vnsel vm1, $0x0, v45  }
0xda: {  	v23 =	vnsel vm1, $0x0, v4;
	v11 =	vsel vm5, $0x0, v11;
	vm1 =	vmor vm2, vm4  }
0xdb: {  	v24 =	vnsel vm1, $0x0, v40;
	v26 =	vnsel vm1, $0x0, v44;
	vm1 =	veq.s32 v11, $0x2  }
0xdc: {  	vm1 =	vmor vm3, vm1  }
0xdd: {  	[tilespmem:$0x1FE60] =	vst v31;
	v28 =	vnsel vm1, $0x0, v5;
	v31 =	vnsel vm1, $0x0, v46;
	vm1 =	veq.s32 v11, $0x3  }
0xde: {  	vm0 =	vmor vm0, vm1;
	vm1 =	vnez.u8 v6;
	v6 =	vld [tilespmem:$0x1FB80];
	_ =	sdelay $0x4  }
0xdf: {  	v20 =	vsel vm1, v10, v18;
	vm1 =	vnez.u8 v6;
	v6 =	vld [tilespmem:$0x1FB90];
	_ =	sdelay $0x4  }
0xe0: {  	v57 =	vnsel vm0, $0x0, v47;
	v58 =	vnsel vm0, $0x0, v48;
	vm0 =	vnez.u8 v6;
	v6 =	vld [tilespmem:$0x1FBA0];
	_ =	sdelay $0x2  }
0xe1: {  	v14 =	vmax.f32 v16, v23  }
0xe2: {  	v14 =	vmax.f32 v14, v24  }
0xe3: {  	v14 =	vmax.f32 v14, v26;
	v13 =	vsel vm1, v13, v19;
	vm1 =	vnez.u8 v6;
	v6 =	vld [tilespmem:$0x1FBB0]  }
0xe4: {  	v14 =	vmax.f32 v14, v28  }
0xe5: {  	v18 =	vmax.f32 v14, v31  }
0xe6: {  	vm2 =	vmand vm14, vm6;
	v19 =	vmax.f32 v18, v57  }
0xe7: {  	s23 =	sor.u32 $0x10, s20;
	[tilespmem:$0x1FE50] =	vst v30;
	vm4 =	vmand vm12, vm9;
	v29 =	vmax.f32 v19, v58;
	v30 =	vsel vm0, v8, v21  }
0xe8: {  	s26 =	sor.u32 s23, s1;
	vm0 =	veq.f32 v57, v29;
	v20 =	vsel vm1, v9, v20;
	vm1 =	vnez.u8 v6;
	v6 =	vld [tilespmem:$0x1FBC0]  }
0xe9: {  	v36 =	vld [tilespmem:s26+$0x0];
	v15 =	vsel vm2, v8, v15;
	v8 =	vsel vm0, $0x6, v0;
	vm0 =	veq.f32 v31, v29  }
0xea: {  	v32 =	vld [tilespmem:s26+$0x80];
	v22 =	vsel vm4, v12, v22;
	v8 =	vsel vm0, $0x5, v8;
	vm0 =	veq.f32 v28, v29  }
0xeb: {  	v25 =	vld [tilespmem:s26+$0x300];
	vm3 =	vmand vm13, vm7;
	v8 =	vsel vm0, $0x4, v8;
	vm0 =	veq.f32 v26, v29  }
0xec: {  	v17 =	vsel vm3, v9, v17;
	v14 =	vld [tilespmem:s26+$0x100];
	v9 =	vsel vm0, $0x3, v8;
	vm0 =	veq.f32 v24, v29  }
0xed: {  	v60 =	vsel vm1, v12, v13;
	v12 =	vsel vm0, $0x2, v9;
	vm0 =	vnez.u8 v6;
	v6 =	vld [tilespmem:$0x1FBD0]  }
0xee: {  	v18 =	vld [tilespmem:s26+$0x180]  }
0xef: {  	v42 =	vsel vm14, v15, v2;
	v19 =	vld [tilespmem:s26+$0x200]  }
0xf0: {  	s24 =	sor.u32 $0x20, s20;
	v39 =	vsel vm13, v17, v7;
	v21 =	vld [tilespmem:s26+$0x280];
	[tilespmem:$0x1FEF0] =	vst v42  }
0xf1: {  	s30 =	sor.u32 s24, s1;
	v41 =	vsel vm12, v22, v3;
	v27 =	vld [tilespmem:s26+$0x380];
	[tilespmem:$0x1FF00] =	vst v39  }
0xf2: {  	v13 =	vld [tilespmem:s30+$0x0];
	[tilespmem:$0x1FF30] =	vst v41;
	v2 =	vsel vm0, v30, v2;
	vm2 =	vnez.u8 v6  }
0xf3: {  	v11 =	vld [tilespmem:s30+$0x80];
	[tilespmem:$0x1FD00] =	vst v2;
	v6 =	vsel vm2, v20, v7  }
0xf4: {  	v10 =	vld [tilespmem:s30+$0x100];
	[tilespmem:$0x1FD10] =	vst v6  }
0xf5: {  	v20 =	vld [tilespmem:s30+$0x180]  }
0xf6: {  	v22 =	vld [tilespmem:s30+$0x200]  }
0xf7: {  	vm1 =	veq.f32 v23, v29;
	vm0 =	vne.f32 v16, v29;
	v29 =	vld [tilespmem:s30+$0x280]  }
0xf8: {  	v61 =	vsel vm1, $0x1, v12;
	vm1 =	vmand vm0, vm1;
	v30 =	vld [tilespmem:s30+$0x300]  }
0xf9: {  	s0 =	sor.u32 s20, s1;
	v62 =	vnsel vm0, $0xFF800000, v16;
	v16 =	vsel vm1, $0xFF800000, v23;
	v6 =	vnsel vm0, $0x0, v61;
	v34 =	vld [tilespmem:s30+$0x380]  }
0xfa: {  	vm2 =	veq.s32 v6, $0x2;
	vm3 =	veq.s32 v6, $0x3;
	vm4 =	veq.s32 v6, $0x4;
	v15 =	vld [tilespmem:s0+$0x0]  }
0xfb: {  	vm5 =	veq.s32 v6, $0x5;
	vm6 =	veq.s32 v6, $0x6;
	[tilespmem:$0x1FEA0] =	vst v6;
	vm7 =	veq.s32 v6, $0x7;
	v6 =	vld [tilespmem:$0x1FBE0]  }
0xfc: {  	v7 =	vmax.f32 v62, v16;
	v17 =	vsel vm2, $0xFF800000, v24  }
0xfd: {  	v50 =	vadd.f32 v18, v14;
	v23 =	vsel vm3, $0xFF800000, v26;
	v7 =	vmax.f32 v7, v17  }
0xfe: {  	v54 =	vadd.f32 v21, v19;
	v24 =	vsel vm4, $0xFF800000, v28;
	v7 =	vmax.f32 v7, v23  }
0xff: {  	v55 =	vadd.f32 v27, v25;
	v26 =	vsel vm5, $0xFF800000, v31;
	v12 =	vmax.f32 v7, v24  }
0x100: {  	v9 =	vld [tilespmem:s0+$0x80];
	v63 =	vsel vm6, $0xFF800000, v57;
	v28 =	vmax.f32 v12, v26;
	vm8 =	vnez.u8 v6  }
0x101: {  	v31 =	vadd.f32 v32, v36;
	v12 =	vld [tilespmem:s0+$0x100];
	v59 =	vmax.f32 v28, v63;
	v38 =	vsel vm8, v60, v3  }
0x102: {  	v56 =	vadd.f32 v11, v13;
	v49 =	vadd.f32 v20, v10;
	v28 =	vld [tilespmem:s0+$0x180];
	v35 =	vmax.f32 v59, v58;
	[tilespmem:$0x1FF20] =	vst v38  }
0x103: {  	v3 =	vmax.f32 v31, v50;
	v60 =	vmax.f32 v54, v55;
	v33 =	vld [tilespmem:s0+$0x200];
	v35 =	vsel vm7, v59, v35  }
0x104: {  	v3 =	vmax.f32 v3, v60;
	v52 =	vld [tilespmem:s0+$0x280];
	vm7 =	veq.f32 v63, v35;
	vm8 =	veq.f32 v24, v35  }
0x105: {  	v53 =	vld [tilespmem:s0+$0x300];
	v24 =	vadd.f32 v29, v22;
	vm10 =	veq.f32 v16, v35;
	vm9 =	vne.f32 v62, v35  }
0x106: {  	v51 =	vld [tilespmem:s0+$0x380];
	v63 =	vsel vm6, v47, v48;
	v61 =	vsel vm7, $0x6, v0;
	vm7 =	veq.f32 v26, v35  }
0x107: {  	v57 =	vsel vm5, v46, v63;
	vm5 =	veq.f32 v54, v3;
	v26 =	vsel vm7, $0x5, v61  }
0x108: {  	vm7 =	veq.f32 v23, v35;
	v23 =	vadd.f32 v34, v30;
	v16 =	vadd.f32 v28, v12  }
0x109: {  	v57 =	vsel vm4, v5, v57;
	v58 =	vsel vm5, $0x2, v1;
	v26 =	vsel vm8, $0x4, v26  }
0x10a: {  	vm8 =	veq.f32 v17, v35;
	v17 =	vadd.f32 v9, v15;
	v26 =	vsel vm7, $0x3, v26  }
0x10b: {  	v2 =	vadd.f32 v52, v33;
	v35 =	vadd.f32 v51, v53;
	v26 =	vsel vm8, $0x2, v26  }
0x10c: {  	v62 =	vmax.f32 v24, v23;
	v37 =	vmax.f32 v17, v16;
	v26 =	vsel vm10, $0x1, v26  }
0x10d: {  	v43 =	vmax.f32 v2, v35;
	v6 =	vnsel vm9, $0x0, v26;
	v26 =	vmax.f32 v56, v49  }
0x10e: {  	vm7 =	veq.s32 v6, $0x6;
	v26 =	vmax.f32 v26, v62;
	vm6 =	veq.s32 v6, $0x5  }
0x10f: {  	vm4 =	veq.s32 v6, $0x3;
	v47 =	vsel vm7, v47, v48;
	v48 =	vmax.f32 v37, v43  }
0x110: {  	vm7 =	veq.s32 v6, $0x4;
	vm8 =	veq.f32 v24, v26;
	vm12 =	veq.f32 v49, v26  }
0x111: {  	v46 =	vsel vm6, v46, v47;
	vm6 =	veq.f32 v2, v48;
	v47 =	vsel vm3, v44, v57  }
0x112: {  	vm3 =	veq.s32 v6, $0x2;
	v60 =	vsel vm8, $0x2, v1;
	vm11 =	veq.f32 v16, v48  }
0x113: {  	vm8 =	veq.f32 v31, v3;
	v5 =	vsel vm7, v5, v46;
	v59 =	vsel vm6, $0x2, v1  }
0x114: {  	v47 =	vsel vm2, v40, v47;
	vm2 =	veq.f32 v50, v3;
	vm7 =	veq.f32 v56, v26  }
0x115: {  	vm6 =	veq.f32 v17, v48;
	v5 =	vsel vm4, v44, v5;
	v46 =	vsel vm2, $0x1, v58  }
0x116: {  	v44 =	vsel vm11, $0x1, v59;
	vm4 =	vmand vm9, vm10;
	v62 =	vsel vm1, v4, v47  }
0x117: {  	vm1 =	vne.f32 v17, v48;
	vm10 =	vne.f32 v56, v26;
	v17 =	vsel vm6, $0xFF800000, v17  }
0x118: {  	v57 =	vsel vm7, $0xFF800000, v56;
	v5 =	vsel vm3, v40, v5;
	v40 =	vsel vm12, $0x1, v60  }
0x119: {  	v46 =	vsel vm8, $0x0, v46;
	v61 =	vsel vm6, $0x0, v44;
	v43 =	vsel vm0, v62, v45  }
0x11a: {  	vm0 =	vne.f32 v31, v3;
	vm10 =	vmand vm10, vm12;
	v31 =	vsel vm8, $0xFF800000, v31  }
0x11b: {  	v40 =	vsel vm7, $0x0, v40;
	vm3 =	veq.s32 v46, $0x2;
	v4 =	vsel vm4, v4, v5  }
0x11c: {  	vm5 =	veq.s32 v61, $0x2;
	vm4 =	veq.s32 v40, $0x2;
	v45 =	vsel vm9, v4, v45  }
0x11d: {  	v3 =	vsel vm3, $0xFF800000, v54;
	v4 =	vsel vm5, $0xFF800000, v2;
	vm9 =	vmand vm1, vm11  }
0x11e: {  	vm11 =	vmand vm0, vm2;
	vm0 =	veq.s32 v61, $0x3;
	vm1 =	veq.s32 v46, $0x3  }
0x11f: {  	vm2 =	veq.s32 v40, $0x3;
	v5 =	vsel vm4, $0xFF800000, v24;
	v26 =	vmax.f32 v4, v35  }
0x120: {  	v63 =	vmax.f32 v3, v55;
	v16 =	vsel vm9, $0xFF800000, v16;
	v37 =	vsel vm11, $0xFF800000, v50  }
0x121: {  	v55 =	vsel vm10, $0xFF800000, v49;
	v23 =	vmax.f32 v5, v23;
	v2 =	vsel vm0, v2, v26  }
0x122: {  	v26 =	vsel vm1, v54, v63;
	v58 =	vmax.f32 v17, v16;
	v59 =	vmax.f32 v57, v55  }
0x123: {  	v23 =	vsel vm2, v24, v23;
	v24 =	vmax.f32 v31, v37;
	v2 =	vmax.f32 v58, v2  }
0x124: {  	v24 =	vmax.f32 v24, v26;
	v23 =	vmax.f32 v59, v23;
	vm13 =	veq.f32 v4, v2  }
0x125: {  	vm12 =	veq.f32 v3, v24;
	vm14 =	veq.f32 v5, v23;
	v5 =	vsel vm13, $0x2, v1  }
0x126: {  	vm13 =	vne.f32 v31, v24;
	vm15 =	vne.f32 v57, v23;
	v3 =	vsel vm12, $0x2, v1  }
0x127: {  	v4 =	vsel vm14, $0x2, v1;
	vm12 =	veq.f32 v37, v24;
	vm14 =	veq.f32 v55, v23  }
0x128: {  	v3 =	vsel vm12, $0x1, v3;
	vm12 =	vmand vm13, vm12;
	vm13 =	veq.f32 v16, v2  }
0x129: {  	v4 =	vsel vm14, $0x1, v4;
	vm14 =	vmand vm15, vm14;
	vm15 =	vne.f32 v17, v2  }
0x12a: {  	v5 =	vsel vm13, $0x1, v5;
	vm13 =	vmand vm15, vm13;
	vm15 =	veq.f32 v31, v24  }
0x12b: {  	vm8 =	vmor vm8, vm15;
	v3 =	vsel vm15, $0x0, v3;
	vm15 =	veq.f32 v57, v23  }
0x12c: {  	vm7 =	vmor vm7, vm15;
	v4 =	vsel vm15, $0x0, v4;
	vm15 =	veq.f32 v17, v2  }
0x12d: {  	[tilespmem:$0x1FE90] =	vst v6;
	v6 =	vnsel vm8, $0x0, v36;
	v16 =	vnsel vm8, $0x0, v32;
	vm8 =	vmor vm11, vm12  }
0x12e: {  	vm6 =	vmor vm6, vm15;
	v2 =	vsel vm15, $0x0, v5;
	v17 =	vnsel vm7, $0x0, v13  }
0x12f: {  	v23 =	vnsel vm7, $0x0, v11;
	vm7 =	vmor vm9, vm13;
	vm9 =	veq.s32 v3, $0x2  }
0x130: {  	v31 =	vnsel vm8, $0x0, v14;
	v60 =	vmax.f32 v6, v16;
	v49 =	vnsel vm8, $0x0, v18  }
0x131: {  	v24 =	vnsel vm6, $0x0, v15;
	v26 =	vnsel vm6, $0x0, v9;
	vm6 =	vmor vm10, vm14  }
0x132: {  	vm10 =	veq.s32 v4, $0x2;
	vm11 =	veq.s32 v2, $0x2;
	v40 =	vnsel vm7, $0x0, v12  }
0x133: {  	v61 =	vmax.f32 v17, v23;
	vm3 =	vmor vm3, vm9;
	v35 =	vmax.f32 v60, v31  }
0x134: {  	v54 =	vnsel vm7, $0x0, v28;
	vm7 =	veq.s32 v4, $0x3;
	vm8 =	veq.s32 v2, $0x3  }
0x135: {  	v48 =	vnsel vm6, $0x0, v10;
	v62 =	vmax.f32 v24, v26;
	vm4 =	vmor vm4, vm10  }
0x136: {  	vm5 =	vmor vm5, vm11;
	v50 =	vnsel vm6, $0x0, v20;
	v55 =	vnsel vm3, $0x0, v19  }
0x137: {  	vm6 =	veq.s32 v3, $0x3;
	v35 =	vmax.f32 v35, v49;
	v57 =	vnsel vm3, $0x0, v21  }
0x138: {  	vm2 =	vmor vm2, vm7;
	vm3 =	vmor vm0, vm8;
	v3 =	vimm.s32 $0x0  }
0x139: {  	v46 =	vmax.f32 v61, v48;
	v47 =	vmax.f32 v62, v40;
	v56 =	vnsel vm4, $0x0, v22  }
0x13a: {  	v5 =	vnsel vm5, $0x0, v33;
	v63 =	vmax.f32 v35, v55;
	v58 =	vnsel vm4, $0x0, v29  }
0x13b: {  	vm1 =	vmor vm1, vm6;
	v59 =	vnsel vm5, $0x0, v52;
	v61 =	vnsel vm2, $0x0, v30  }
0x13c: {  	v8 =	vnsel vm2, $0x0, v34;
	v7 =	vnsel vm3, $0x0, v51;
	v46 =	vmax.f32 v46, v50  }
0x13d: {  	v47 =	vmax.f32 v47, v54;
	v2 =	vmax.f32 v63, v57;
	v60 =	vnsel vm1, $0x0, v25  }
0x13e: {  	v62 =	vnsel vm1, $0x0, v27;
	v63 =	vnsel vm3, $0x0, v53;
	v4 =	vmax.f32 v46, v56  }
0x13f: {  	v37 =	vmax.f32 v47, v5;
	v2 =	vmax.f32 v2, v60;
	v4 =	vmax.f32 v4, v58  }
0x140: {  	v35 =	vmax.f32 v37, v59;
	v2 =	vmax.f32 v2, v62;
	v4 =	vmax.f32 v4, v61  }
0x141: {  	v35 =	vmax.f32 v35, v63;
	vm4 =	veq.f32 v60, v2;
	vm5 =	veq.f32 v57, v2  }
0x142: {  	vm6 =	veq.f32 v55, v2;
	vm7 =	veq.f32 v49, v2;
	vm1 =	veq.f32 v31, v2  }
0x143: {  	vm0 =	veq.f32 v16, v2;
	vm15 =	vne.f32 v6, v2;
	v44 =	vmax.f32 v4, v8  }
0x144: {  	v4 =	vmax.f32 v35, v7;
	v46 =	vsel vm4, $0x6, v0;
	v6 =	vnsel vm15, $0xFF800000, v6  }
0x145: {  	vm2 =	veq.f32 v61, v44;
	vm3 =	veq.f32 v58, v44;
	vm8 =	veq.f32 v56, v44  }
0x146: {  	vm9 =	veq.f32 v50, v44;
	vm10 =	veq.f32 v48, v44;
	vm11 =	veq.f32 v23, v44  }
0x147: {  	vm14 =	vne.f32 v17, v44;
	vm12 =	veq.f32 v63, v4;
	vm4 =	veq.f32 v59, v4  }
0x148: {  	v2 =	vsel vm5, $0x5, v46;
	vm5 =	veq.f32 v40, v4;
	vm13 =	veq.f32 v26, v4  }
0x149: {  	v47 =	vsel vm2, $0x6, v0;
	vm2 =	veq.f32 v5, v4;
	v37 =	vsel vm12, $0x6, v0  }
0x14a: {  	vm12 =	vne.f32 v24, v4;
	v2 =	vsel vm6, $0x4, v2;
	v17 =	vnsel vm14, $0xFF800000, v17  }
0x14b: {  	v35 =	vsel vm3, $0x5, v47;
	vm3 =	veq.f32 v54, v4;
	v4 =	vsel vm4, $0x5, v37  }
0x14c: {  	v2 =	vsel vm7, $0x3, v2;
	v24 =	vnsel vm12, $0xFF800000, v24;
	v35 =	vsel vm8, $0x4, v35  }
0x14d: {  	v4 =	vsel vm2, $0x4, v4;
	v2 =	vsel vm1, $0x2, v2;
	vm2 =	vmand vm15, vm0  }
0x14e: {  	vm1 =	vmand vm14, vm11;
	v35 =	vsel vm9, $0x3, v35;
	v4 =	vsel vm3, $0x3, v4  }
0x14f: {  	v2 =	vsel vm0, $0x1, v2;
	v3 =	vsel vm2, $0xFFFFFFFF, v3;
	vm0 =	vmand vm12, vm13  }
0x150: {  	v35 =	vsel vm10, $0x2, v35;
	v4 =	vsel vm5, $0x2, v4;
	v37 =	vnsel vm15, $0x0, v2  }
0x151: {  	[tilespmem:$0x1FC80] =	vst v3;
	v3 =	vimm.s32 $0x0;
	v35 =	vsel vm11, $0x1, v35;
	v4 =	vsel vm13, $0x1, v4  }
0x152: {  	v3 =	vsel vm15, $0xFFFFFFFF, v3;
	vm5 =	veq.s32 v37, $0x2;
	vm15 =	veq.s32 v37, $0x4  }
0x153: {  	vm8 =	veq.s32 v37, $0x5;
	vm6 =	veq.s32 v37, $0x7;
	v44 =	vnsel vm14, $0x0, v35  }
0x154: {  	v2 =	vnsel vm12, $0x0, v4;
	[tilespmem:$0x1FCB0] =	vst v3;
	v3 =	vimm.s32 $0x0;
	v4 =	vsel vm2, $0xFF800000, v16  }
0x155: {  	v16 =	vsel vm1, $0xFF800000, v23;
	v23 =	vsel vm0, $0xFF800000, v26;
	v3 =	vsel vm1, $0xFFFFFFFF, v3  }
0x156: {  	v26 =	vsel vm5, $0xFF800000, v31;
	vm2 =	veq.s32 v37, $0x3;
	[tilespmem:$0x1FC90] =	vst v3;
	v3 =	vimm.s32 $0x0  }
0x157: {  	v55 =	vsel vm15, $0xFF800000, v55;
	v57 =	vsel vm8, $0xFF800000, v57;
	v3 =	vsel vm14, $0xFFFFFFFF, v3  }
0x158: {  	vm4 =	veq.s32 v44, $0x2;
	vm3 =	veq.s32 v2, $0x2;
	[tilespmem:$0x1FCC0] =	vst v3;
	v3 =	vimm.s32 $0x0  }
0x159: {  	vm1 =	veq.s32 v44, $0x3;
	v46 =	vmax.f32 v6, v4;
	v3 =	vsel vm12, $0xFFFFFFFF, v3  }
0x15a: {  	v47 =	vmax.f32 v17, v16;
	v49 =	vsel vm2, $0xFF800000, v49;
	[tilespmem:$0x1FCD0] =	vst v3;
	v3 =	vimm.s32 $0x0  }
0x15b: {  	vm10 =	veq.s32 v44, $0x4;
	vm7 =	veq.s32 v2, $0x7;
	v3 =	vsel vm0, $0xFFFFFFFF, v3  }
0x15c: {  	v31 =	vsel vm4, $0xFF800000, v48;
	v35 =	vsel vm3, $0xFF800000, v40;
	[tilespmem:$0x1FCA0] =	vst v3;
	v3 =	vimm.s32 $0x0  }
0x15d: {  	v40 =	vmax.f32 v46, v26;
	v50 =	vsel vm1, $0xFF800000, v50;
	v3 =	vsel vm5, $0xFFFFFFFF, v3  }
0x15e: {  	v46 =	vimm.s32 $0x0;
	v56 =	vsel vm10, $0xFF800000, v56;
	[tilespmem:$0x1FC50] =	vst v3;
	v3 =	vimm.s32 $0x0  }
0x15f: {  	v48 =	vmax.f32 v47, v31;
	v40 =	vmax.f32 v40, v49;
	v3 =	vsel vm4, $0xFFFFFFFF, v3  }
0x160: {  	v48 =	vmax.f32 v48, v50;
	v40 =	vmax.f32 v40, v55;
	[tilespmem:$0x1FC60] =	vst v3;
	v3 =	vimm.s32 $0x0  }
0x161: {  	v48 =	vmax.f32 v48, v56;
	vm0 =	veq.s32 v2, $0x3;
	v3 =	vsel vm3, $0xFFFFFFFF, v3  }
0x162: {  	v40 =	vmax.f32 v40, v57;
	v54 =	vsel vm0, $0xFF800000, v54;
	[tilespmem:$0x1FC70] =	vst v3;
	v3 =	vimm.s32 $0x0  }
0x163: {  	vm5 =	veq.s32 v2, $0x5;
	vm4 =	veq.s32 v44, $0x5;
	v3 =	vsel vm2, $0xFFFFFFFF, v3  }
0x164: {  	v59 =	vsel vm5, $0xFF800000, v59;
	v58 =	vsel vm4, $0xFF800000, v58;
	[tilespmem:$0x1FC10] =	vst v3;
	v3 =	vimm.s32 $0x0  }
0x165: {  	v48 =	vmax.f32 v48, v58;
	vm3 =	veq.s32 v37, $0x6;
	v3 =	vsel vm1, $0xFFFFFFFF, v3  }
0x166: {  	v60 =	vsel vm3, $0xFF800000, v60;
	vm2 =	veq.s32 v2, $0x6;
	[tilespmem:$0x1FC20] =	vst v3;
	v3 =	vimm.s32 $0x0  }
0x167: {  	v40 =	vmax.f32 v40, v60;
	v63 =	vsel vm2, $0xFF800000, v63;
	v3 =	vsel vm0, $0xFFFFFFFF, v3  }
0x168: {  	v62 =	vmax.f32 v40, v62;
	vm1 =	veq.s32 v44, $0x6;
	[tilespmem:$0x1FC30] =	vst v3;
	v3 =	vmax.f32 v24, v23  }
0x169: {  	v40 =	vsel vm6, v40, v62;
	vm0 =	veq.s32 v2, $0x4;
	v3 =	vmax.f32 v3, v35  }
0x16a: {  	v61 =	vsel vm1, $0xFF800000, v61;
	v5 =	vsel vm0, $0xFF800000, v5;
	v3 =	vmax.f32 v3, v54  }
0x16b: {  	vm6 =	veq.s32 v44, $0x7;
	v48 =	vmax.f32 v48, v61;
	v3 =	vmax.f32 v3, v5  }
0x16c: {  	vm13 =	vne.f32 v6, v40;
	v8 =	vmax.f32 v48, v8;
	v3 =	vmax.f32 v3, v59  }
0x16d: {  	v46 =	vsel vm0, $0xFFFFFFFF, v46;
	v8 =	vsel vm6, v48, v8;
	v3 =	vmax.f32 v3, v63  }
0x16e: {  	vm6 =	veq.f32 v60, v40;
	vm14 =	vne.f32 v17, v8;
	v7 =	vmax.f32 v3, v7  }
0x16f: {  	v3 =	vsel vm7, v3, v7;
	v7 =	vsel vm6, $0x6, v0;
	vm6 =	veq.f32 v61, v8  }
0x170: {  	[tilespmem:$0x1FEC0] =	vst v44;
	v17 =	vsel vm1, v30, v34;
	vm7 =	veq.f32 v63, v3;
	v44 =	vsel vm6, $0x6, v0  }
0x171: {  	vm6 =	veq.f32 v57, v40;
	vm9 =	veq.f32 v23, v3;
	vm12 =	vne.f32 v24, v3  }
0x172: {  	[tilespmem:$0x1FC00] =	vst v46;
	v46 =	vsel vm7, $0x6, v0;
	v7 =	vsel vm6, $0x5, v7;
	vm6 =	veq.f32 v58, v8  }
0x173: {  	vm7 =	veq.f32 v59, v3;
	v48 =	vsel vm6, $0x5, v44;
	vm6 =	veq.f32 v55, v40  }
0x174: {  	v47 =	vsel vm7, $0x5, v46;
	vm7 =	veq.f32 v5, v3;
	v7 =	vsel vm6, $0x4, v7  }
0x175: {  	s25 =	simm.s32 $0x80;
	[tilespmem:$0x1FF10] =	vst v43;
	vm6 =	veq.f32 v56, v8;
	v60 =	vsel vm7, $0x4, v47;
	vm7 =	veq.f32 v54, v3  }
0x176: {  	s20 =	simm.s32 $0x400;
	s0 =	sand.u32 $0x40, s25;
	[tilespmem:$0x1FE70] =	vst v45;
	v5 =	vsel vm6, $0x4, v48;
	vm6 =	veq.f32 v49, v40;
	v48 =	vsel vm7, $0x3, v60  }
0x177: {  	s29 =	sand.u32 $0xC00, s20;
	s26 =	sor.u32 $0x30, s0;
	[tilespmem:$0x1FEB0] =	vst v37;
	vm7 =	veq.f32 v35, v3;
	v7 =	vsel vm6, $0x3, v7;
	vm6 =	veq.f32 v50, v8  }
0x178: {  	s13 =	sor.u32 s26, s29;
	[tilespmem:$0x1FBF0] =	vst v2;
	v5 =	vsel vm6, $0x3, v5;
	vm6 =	veq.f32 v26, v40;
	v26 =	vsel vm7, $0x2, v48  }
0x179: {  	v62 =	vld [tilespmem:s13+$0x0];
	vm7 =	veq.f32 v4, v40;
	v7 =	vsel vm6, $0x2, v7;
	vm6 =	veq.f32 v31, v8  }
0x17a: {  	v37 =	vld [tilespmem:s13+$0x100];
	v5 =	vsel vm6, $0x2, v5;
	v4 =	vsel vm7, $0x1, v7;
	vm6 =	veq.f32 v16, v8  }
0x17b: {  	v63 =	vld [tilespmem:s13+$0x80];
	v16 =	vsel vm9, $0x1, v26;
	v7 =	vsel vm6, $0x1, v5;
	v4 =	vnsel vm13, $0x0, v4  }
0x17c: {  	v59 =	vld [tilespmem:s13+$0x380];
	v61 =	vnsel vm12, $0x0, v16;
	v16 =	vsel vm3, v25, v27;
	vm11 =	veq.s32 v4, $0x6  }
0x17d: {  	v40 =	vld [tilespmem:s13+$0x180];
	v5 =	vnsel vm14, $0x0, v7;
	v3 =	vmovc v4;
	vm0 =	veq.s32 v61, $0x6;
	v6 =	vsel vm11, v25, v27  }
0x17e: {  	v48 =	vld [tilespmem:s13+$0x200];
	vm11 =	veq.s32 v5, $0x6;
	v8 =	vsel vm0, v53, v51;
	vm0 =	veq.s32 v3, $0x5  }
0x17f: {  	v4 =	vld [tilespmem:s13+$0x280];
	v7 =	vsel vm11, v30, v34;
	v6 =	vsel vm0, v21, v6;
	vm0 =	veq.s32 v5, $0x5  }
0x180: {  	v16 =	vsel vm8, v21, v16;
	v34 =	vld [tilespmem:s13+$0x300];
	v7 =	vsel vm0, v29, v7;
	vm0 =	veq.s32 v3, $0x4  }
0x181: {  	v17 =	vsel vm4, v29, v17;
	v16 =	vsel vm15, v19, v16;
	v6 =	vsel vm0, v19, v6;
	v19 =	vld [tilespmem:$0x1FC00]  }
0x182: {  	v17 =	vsel vm10, v22, v17;
	vm1 =	veq.s32 v61, $0x5  }
0x183: {  	v23 =	vsel vm2, v53, v51;
	v24 =	vadd.f32 v40, v37;
	v8 =	vsel vm1, v52, v8  }
0x184: {  	vm1 =	veq.s32 v5, $0x4;
	v21 =	vsel vm5, v52, v23;
	v23 =	vadd.f32 v63, v62  }
0x185: {  	vm0 =	veq.s32 v61, $0x4;
	v25 =	vadd.f32 v4, v48;
	v26 =	vadd.f32 v59, v34  }
0x186: {  	v27 =	vld [tilespmem:$0x1FC10];
	v7 =	vsel vm1, v22, v7;
	v8 =	vsel vm0, v33, v8;
	vm0 =	vnez.u8 v19  }
0x187: {  	v22 =	vmax.f32 v25, v26;
	v19 =	vsel vm0, v33, v21;
	vm0 =	veq.s32 v3, $0x3  }
0x188: {  	v21 =	vmax.f32 v23, v24;
	v6 =	vsel vm0, v18, v6;
	vm0 =	veq.s32 v5, $0x3  }
0x189: {  	v21 =	vmax.f32 v21, v22;
	v7 =	vsel vm0, v20, v7;
	vm0 =	veq.s32 v61, $0x3  }
0x18a: {  	vm1 =	veq.f32 v25, v21;
	v8 =	vsel vm0, v28, v8  }
0x18b: {  	v22 =	vsel vm1, $0x2, v1;
	vm0 =	veq.f32 v24, v21;
	vm1 =	vnez.u8 v27  }
0x18c: {  	v16 =	vsel vm1, v18, v16;
	v18 =	vsel vm0, $0x1, v22;
	v22 =	vld [tilespmem:$0x1FC20];
	_ =	sdelay $0x4  }
0x18d: {  	vm2 =	vnez.u8 v22  }
0x18e: {  	v17 =	vsel vm2, v20, v17;
	v20 =	vld [tilespmem:$0x1FC30];
	_ =	sdelay $0x3  }
0x18f: {  	vm4 =	veq.s32 v3, $0x2;
	vm5 =	veq.s32 v61, $0x2;
	vm1 =	veq.f32 v23, v21  }
0x190: {  	v44 =	vld [tilespmem:$0x1FC50];
	v6 =	vsel vm4, v14, v6;
	v18 =	vsel vm1, $0x0, v18;
	vm3 =	vnez.u8 v20  }
0x191: {  	vm2 =	vne.f32 v23, v21;
	v19 =	vsel vm3, v28, v19;
	vm3 =	veq.s32 v18, $0x2  }
0x192: {  	vm2 =	vmand vm2, vm0;
	vm0 =	veq.s32 v18, $0x3;
	v21 =	vsel vm3, $0xFF800000, v25  }
0x193: {  	v22 =	vsel vm2, $0xFF800000, v24;
	v20 =	vsel vm1, $0xFF800000, v23;
	v23 =	vmax.f32 v21, v26  }
0x194: {  	vm4 =	veq.s32 v5, $0x2;
	v18 =	vmax.f32 v20, v22;
	v23 =	vsel vm0, v25, v23  }
0x195: {  	v8 =	vsel vm5, v12, v8;
	vm5 =	vnez.u8 v44;
	v18 =	vmax.f32 v18, v23  }
0x196: {  	v7 =	vsel vm4, v10, v7;
	v14 =	vsel vm5, v14, v16;
	vm4 =	veq.f32 v21, v18  }
0x197: {  	vm5 =	veq.f32 v20, v18;
	v16 =	vsel vm4, $0x2, v1;
	vm4 =	veq.f32 v22, v18  }
0x198: {  	vm8 =	vne.f32 v20, v18;
	vm1 =	vmor vm1, vm5;
	v16 =	vsel vm4, $0x1, v16  }
0x199: {  	vm4 =	vmand vm8, vm4;
	v20 =	vnsel vm1, $0x0, v62;
	v22 =	vnsel vm1, $0x0, v63  }
0x19a: {  	v16 =	vsel vm5, $0x0, v16;
	vm1 =	vmor vm2, vm4;
	vm2 =	vmand vm13, vm7  }
0x19b: {  	v46 =	vld [tilespmem:$0x1FC60];
	v18 =	vmax.f32 v20, v22;
	vm4 =	vmand vm12, vm9;
	v23 =	vnsel vm1, $0x0, v37  }
0x19c: {  	v47 =	vld [tilespmem:$0x1FC70];
	v24 =	vnsel vm1, $0x0, v40;
	vm1 =	veq.s32 v16, $0x2;
	v6 =	vsel vm2, v32, v6  }
0x19d: {  	v49 =	vld [tilespmem:$0x1FC80];
	vm1 =	vmor vm3, vm1;
	vm3 =	vmand vm14, vm6;
	v18 =	vmax.f32 v18, v23  }
0x19e: {  	v50 =	vld [tilespmem:$0x1FC90];
	v25 =	vnsel vm1, $0x0, v48;
	v26 =	vnsel vm1, $0x0, v4;
	vm1 =	veq.s32 v16, $0x3  }
0x19f: {  	v51 =	vld [tilespmem:$0x1FCA0];
	v16 =	vmax.f32 v18, v24;
	v7 =	vsel vm3, v11, v7;
	vm0 =	vmor vm0, vm1  }
0x1a0: {  	v16 =	vmax.f32 v16, v25;
	vm1 =	vnez.u8 v46;
	v52 =	vsel vm14, v7, v13  }
0x1a1: {  	[tilespmem:$0x1FED0] =	vst v3;
	v10 =	vsel vm1, v10, v17;
	v17 =	vnsel vm0, $0x0, v34;
	vm1 =	vnez.u8 v47  }
0x1a2: {  	s28 =	sor.u32 $0x10, s0;
	[tilespmem:$0x1FEE0] =	vst v5;
	v16 =	vmax.f32 v16, v26;
	v12 =	vsel vm1, v12, v19;
	v19 =	vnsel vm0, $0x0, v59  }
0x1a3: {  	s30 =	sor.u32 s28, s29;
	[tilespmem:$0x1FC40] =	vst v61;
	v5 =	vld [tilespmem:$0x1FCB0];
	v16 =	vmax.f32 v16, v17;
	vm0 =	vnez.u8 v49;
	vm1 =	vnez.u8 v50  }
0x1a4: {  	v16 =	vmax.f32 v16, v19;
	v27 =	vsel vm1, v11, v10;
	v10 =	vld [tilespmem:s30+$0x0];
	vm1 =	vnez.u8 v51  }
0x1a5: {  	v21 =	vsel vm0, v32, v14;
	vm0 =	veq.f32 v17, v16;
	v28 =	vsel vm1, v9, v12;
	v12 =	vld [tilespmem:s30+$0x80];
	[tilespmem:$0x1FE30] =	vst v52  }
0x1a6: {  	v18 =	vsel vm4, v9, v8;
	v8 =	vsel vm0, $0x6, v0;
	vm0 =	veq.f32 v26, v16;
	v14 =	vld [tilespmem:s30+$0x100]  }
0x1a7: {  	v53 =	vsel vm12, v18, v15;
	v18 =	vld [tilespmem:s30+$0x180];
	v9 =	vsel vm0, $0x5, v8;
	vm0 =	veq.f32 v25, v16  }
0x1a8: {  	v3 =	vsel vm13, v6, v36;
	v6 =	vsel vm0, $0x4, v9;
	vm0 =	veq.f32 v24, v16  }
0x1a9: {  	vm1 =	vnez.u8 v5;
	v6 =	vsel vm0, $0x3, v6;
	vm0 =	veq.f32 v23, v16  }
0x1aa: {  	vm2 =	vne.f32 v20, v16;
	v5 =	vld [tilespmem:$0x1FCC0];
	v6 =	vsel vm0, $0x2, v6;
	vm0 =	veq.f32 v22, v16  }
0x1ab: {  	v11 =	vsel vm1, v21, v36;
	v21 =	vld [tilespmem:s30+$0x200];
	v16 =	vadd.f32 v12, v10;
	v6 =	vsel vm0, $0x1, v6  }
0x1ac: {  	v47 =	vld [tilespmem:s30+$0x280];
	vm3 =	vmand vm2, vm0;
	v31 =	vadd.f32 v18, v14;
	v56 =	vnsel vm2, $0x0, v6  }
0x1ad: {  	v49 =	vld [tilespmem:s30+$0x300];
	v6 =	vnsel vm2, $0xFF800000, v20;
	v30 =	vsel vm3, $0xFF800000, v22;
	vm6 =	veq.s32 v56, $0x2  }
0x1ae: {  	v50 =	vld [tilespmem:s30+$0x380];
	vm7 =	veq.s32 v56, $0x3;
	v20 =	vmax.f32 v6, v30;
	v23 =	vsel vm6, $0xFF800000, v23  }
0x1af: {  	vm8 =	veq.s32 v56, $0x4;
	v24 =	vsel vm7, $0xFF800000, v24;
	v20 =	vmax.f32 v20, v23  }
0x1b0: {  	v44 =	vld [tilespmem:$0x1FCD0];
	vm12 =	veq.s32 v56, $0x5;
	v25 =	vsel vm8, $0xFF800000, v25;
	v20 =	vmax.f32 v20, v24  }
0x1b1: {  	vm11 =	veq.s32 v56, $0x6;
	v26 =	vsel vm12, $0xFF800000, v26;
	v20 =	vmax.f32 v20, v25  }
0x1b2: {  	v60 =	vadd.f32 v47, v21;
	v17 =	vsel vm11, $0xFF800000, v17;
	v20 =	vmax.f32 v20, v26  }
0x1b3: {  	[tilespmem:$0x1FFB0] =	vst v47;
	v61 =	vadd.f32 v50, v49;
	vm0 =	vnez.u8 v5;
	v20 =	vmax.f32 v20, v17  }
0x1b4: {  	[tilespmem:$0x1FF70] =	vst v50;
	v5 =	vsel vm0, v27, v13;
	vm0 =	veq.s32 v56, $0x7;
	v22 =	vmax.f32 v20, v19  }
0x1b5: {  	s30 =	sor.u32 $0x20, s0;
	[tilespmem:$0x1FF60] =	vst v49;
	v36 =	vsel vm0, v20, v22;
	vm0 =	vnez.u8 v44  }
0x1b6: {  	s12 =	sor.u32 s30, s29;
	[tilespmem:$0x1FE40] =	vst v5;
	v20 =	vmax.f32 v16, v31;
	v22 =	vmax.f32 v60, v61;
	v2 =	vsel vm0, v28, v15  }
0x1b7: {  	v27 =	vld [tilespmem:s12+$0x0];
	v28 =	vmax.f32 v20, v22;
	vm0 =	veq.f32 v17, v36;
	vm4 =	veq.f32 v26, v36;
	[tilespmem:$0x1FE80] =	vst v2  }
0x1b8: {  	vm5 =	veq.f32 v25, v36;
	vm13 =	veq.f32 v23, v36;
	vm9 =	vne.f32 v6, v36;
	v29 =	vld [tilespmem:s12+$0x80]  }
0x1b9: {  	vm1 =	veq.f32 v60, v28;
	v17 =	vsel vm0, $0x6, v0;
	vm0 =	veq.f32 v24, v36;
	v22 =	vld [tilespmem:s12+$0x100]  }
0x1ba: {  	v19 =	vld [tilespmem:s12+$0x180];
	v23 =	vsel vm1, $0x2, v1;
	v17 =	vsel vm4, $0x5, v17;
	vm4 =	veq.f32 v31, v28  }
0x1bb: {  	v20 =	vld [tilespmem:s12+$0x200];
	v17 =	vsel vm5, $0x4, v17;
	v6 =	vsel vm4, $0x1, v23;
	vm5 =	veq.f32 v16, v28  }
0x1bc: {  	v51 =	vld [tilespmem:s12+$0x280];
	v17 =	vsel vm0, $0x3, v17;
	v6 =	vsel vm5, $0x0, v6  }
0x1bd: {  	v46 =	vimm.s32 $0x0;
	v13 =	vmovc v53;
	v53 =	vld [tilespmem:s12+$0x300];
	v17 =	vsel vm13, $0x2, v17;
	vm13 =	veq.s32 v6, $0x2  }
0x1be: {  	v52 =	vimm.s32 $0x0;
	s0 =	sor.u32 s0, s29;
	v54 =	vld [tilespmem:s12+$0x380];
	vm1 =	veq.s32 v6, $0x3;
	v2 =	vsel vm13, $0xFFFFFFFF, v46  }
0x1bf: {  	v8 =	vimm.s32 $0x0;
	vm10 =	veq.f32 v30, v36;
	v25 =	vld [tilespmem:s0+$0x0];
	[tilespmem:$0x1FD20] =	vst v2;
	v2 =	vsel vm1, $0xFFFFFFFF, v52  }
0x1c0: {  	v26 =	vsel vm11, v34, v59;
	vm0 =	vne.f32 v16, v28;
	v16 =	vsel vm5, $0xFF800000, v16;
	[tilespmem:$0x1FD30] =	vst v2  }
0x1c1: {  	vm4 =	vmand vm0, vm4;
	v17 =	vsel vm10, $0x1, v17;
	v6 =	vsel vm13, $0xFF800000, v60;
	v28 =	vld [tilespmem:s0+$0x80]  }
0x1c2: {  	v23 =	vsel vm4, $0xFF800000, v31;
	v58 =	vnsel vm9, $0x0, v17;
	v17 =	vmax.f32 v6, v61;
	v30 =	vld [tilespmem:s0+$0x100]  }
0x1c3: {  	v24 =	vmax.f32 v16, v23;
	v17 =	vsel vm1, v60, v17;
	vm0 =	veq.s32 v58, $0x6;
	v33 =	vld [tilespmem:s0+$0x180]  }
0x1c4: {  	v32 =	vadd.f32 v54, v53;
	v31 =	vsel vm0, v34, v59;
	v17 =	vmax.f32 v24, v17;
	v34 =	vld [tilespmem:s0+$0x200]  }
0x1c5: {  	v24 =	vadd.f32 v19, v22;
	v52 =	vld [tilespmem:s0+$0x280];
	vm14 =	veq.f32 v6, v17;
	v6 =	vadd.f32 v29, v27  }
0x1c6: {  	v60 =	vld [tilespmem:s0+$0x300];
	[tilespmem:$0x1FFC0] =	vst v51;
	vm13 =	veq.f32 v23, v17;
	v23 =	vadd.f32 v51, v20;
	vm0 =	vne.f32 v16, v17  }
0x1c7: {  	[tilespmem:$0x1FF90] =	vst v54;
	vm11 =	veq.f32 v16, v17;
	v16 =	vsel vm12, v4, v26;
	vm12 =	veq.s32 v58, $0x5  }
0x1c8: {  	[tilespmem:$0x1FF80] =	vst v53;
	v4 =	vsel vm12, v4, v31;
	vm12 =	veq.s32 v58, $0x4;
	v16 =	vsel vm8, v48, v16  }
0x1c9: {  	v61 =	vld [tilespmem:s0+$0x380];
	v17 =	vmax.f32 v6, v24;
	v26 =	vmax.f32 v23, v32;
	v5 =	vsel vm12, v48, v4  }
0x1ca: {  	v16 =	vsel vm7, v40, v16;
	vm7 =	veq.s32 v58, $0x3;
	v17 =	vmax.f32 v17, v26  }
0x1cb: {  	v5 =	vsel vm7, v40, v5;
	v16 =	vsel vm6, v37, v16;
	vm8 =	veq.f32 v23, v17  }
0x1cc: {  	vm12 =	veq.f32 v24, v17;
	v26 =	vadd.f32 v28, v25;
	v31 =	vadd.f32 v33, v30  }
0x1cd: {  	v35 =	vadd.f32 v52, v34;
	vm15 =	veq.f32 v6, v17;
	vm6 =	vne.f32 v6, v17  }
0x1ce: {  	v16 =	vsel vm3, v63, v16;
	v55 =	vadd.f32 v61, v60;
	v57 =	vsel vm8, $0x2, v1  }
0x1cf: {  	vm8 =	veq.s32 v58, $0x2;
	v6 =	vsel vm15, $0xFF800000, v6;
	v7 =	vsel vm2, v16, v62  }
0x1d0: {  	v48 =	vsel vm12, $0x1, v57;
	v4 =	vmax.f32 v26, v31;
	v5 =	vsel vm8, v37, v5  }
0x1d1: {  	vm12 =	vmand vm6, vm12;
	vm8 =	vmand vm9, vm10;
	vm10 =	vmand vm0, vm13  }
0x1d2: {  	v57 =	vimm.s32 $0x0;
	v59 =	vmax.f32 v35, v55;
	v2 =	vsel vm15, $0x0, v48  }
0x1d3: {  	v24 =	vsel vm12, $0xFF800000, v24;
	v5 =	vsel vm8, v63, v5;
	vm4 =	vmor vm4, vm10  }
0x1d4: {  	v15 =	vmovc v3;
	v3 =	vld [tilespmem:$0x1FCF0];
	v4 =	vmax.f32 v4, v59;
	vm7 =	veq.s32 v2, $0x2;
	vm6 =	veq.s32 v2, $0x3  }
0x1d5: {  	v44 =	vmax.f32 v6, v24;
	v62 =	vsel vm9, v5, v62;
	v2 =	vld [tilespmem:$0x1FCE0];
	v17 =	vsel vm7, $0xFF800000, v23  }
0x1d6: {  	v9 =	vld [tilespmem:$0x1FD00];
	vm2 =	veq.f32 v35, v4;
	vm9 =	veq.f32 v31, v4;
	v32 =	vmax.f32 v17, v32  }
0x1d7: {  	v5 =	vsel vm2, $0x2, v1;
	vm2 =	vne.f32 v26, v4;
	v23 =	vsel vm6, v23, v32  }
0x1d8: {  	v5 =	vsel vm9, $0x1, v5;
	vm2 =	vmand vm2, vm9;
	v23 =	vmax.f32 v44, v23  }
0x1d9: {  	v46 =	vld [tilespmem:$0x1FD20];
	v8 =	vsel vm2, $0xFFFFFFFF, v8;
	vm3 =	veq.f32 v17, v23;
	vm8 =	veq.f32 v24, v23  }
0x1da: {  	v16 =	vadd.f32 v3, v2;
	vm9 =	vne.f32 v6, v23;
	v17 =	vsel vm14, $0x2, v1  }
0x1db: {  	vm14 =	veq.f32 v6, v23;
	v6 =	vadd.f32 v42, v9;
	v23 =	vsel vm2, $0xFF800000, v31  }
0x1dc: {  	vm1 =	vmand vm9, vm8;
	vm9 =	vmor vm5, vm11;
	(erf) = vrcp.f32 v16  }
0x1dd: {  	v16 =	vsel vm13, $0x1, v17;
	vm13 =	veq.f32 v26, v4;
	vm12 =	vmor vm12, vm1  }
0x1de: {  	[tilespmem:$0x1FD40] =	vst v8;
	v8 =	vld [tilespmem:$0x1FD10];
	vm1 =	vnez.u8 v46;
	(erf) = vrcp.f32 v6;
	v4 =	vsel vm13, $0x0, v5  }
0x1df: {  	v48 =	vld [tilespmem:$0x1FD30];
	v5 =	vsel vm3, $0x2, v1;
	v24 =	vsel vm13, $0xFF800000, v26;
	v16 =	vsel vm11, $0x0, v16  }
0x1e0: {  	vm11 =	vmor vm15, vm14;
	v26 =	vnsel vm4, $0x0, v18;
	v46 =	vnsel vm12, $0x0, v22  }
0x1e1: {  	vm3 =	veq.s32 v4, $0x2;
	v5 =	vsel vm8, $0x1, v5;
	vm8 =	veq.s32 v4, $0x3  }
0x1e2: {  	vm10 =	veq.s32 v16, $0x2;
	v44 =	vnsel vm11, $0x0, v27;
	v42 =	vnsel vm11, $0x0, v29  }
0x1e3: {  	v4 =	vadd.f32 v39, v8;
	v6 =	vsel vm3, $0xFF800000, v35;
	v5 =	vsel vm14, $0x0, v5  }
0x1e4: {  	vm10 =	vmor vm1, vm10;
	vm1 =	vnez.u8 v48;
	v31 =	vmax.f32 v44, v42  }
0x1e5: {  	v17 =	vmax.f32 v6, v55;
	vm15 =	veq.s32 v5, $0x3;
	v36 =	vnsel vm10, $0x0, v47  }
0x1e6: {  	(erf) = vrcp.f32 v4;
	v4 =	vsel vm8, v35, v17;
	v17 =	vmax.f32 v24, v23  }
0x1e7: {  	v31 =	vmax.f32 v31, v46;
	v35 =	vnsel vm10, $0x0, v21;
	v4 =	vmax.f32 v17, v4  }
0x1e8: {  	vm5 =	veq.f32 v6, v4;
	vm0 =	veq.f32 v23, v4;
	v6 =	vadd.f32 v41, v38  }
0x1e9: {  	vm14 =	veq.f32 v24, v4;
	v23 =	vadd.f32 v45, v43;
	v41 =	vnsel vm9, $0x0, v10  }
0x1ea: {  	v43 =	vnsel vm9, $0x0, v12;
	vm9 =	veq.s32 v16, $0x3;
	v16 =	vnsel vm4, $0x0, v14  }
0x1eb: {  	v17 =	vsel vm5, $0x2, v1;
	vm5 =	vmor vm13, vm14;
	vm13 =	vne.f32 v24, v4  }
0x1ec: {  	vm4 =	vmor vm1, vm9;
	vm9 =	vmor vm6, vm15;
	v17 =	vsel vm0, $0x1, v17  }
0x1ed: {  	(erf) = vrcp.f32 v6;
	v37 =	vnsel vm4, $0x0, v49;
	v49 =	vnsel vm12, $0x0, v19  }
0x1ee: {  	v48 =	vnsel vm4, $0x0, v50;
	vm0 =	vmand vm13, vm0;
	v6 =	vsel vm14, $0x0, v17  }
0x1ef: {  	v55 =	vld [tilespmem:$0x1FD40];
	(erf) = vrcp.f32 v23;
	vm14 =	veq.s32 v5, $0x2;
	v23 =	vmax.f32 v41, v43  }
0x1f0: {  	v31 =	vmax.f32 v31, v49;
	v17 =	vnsel vm5, $0x0, v28;
	v5 =	vmax.f32 v23, v16  }
0x1f1: {  	vm2 =	veq.s32 v6, $0x2;
	vm14 =	vmor vm7, vm14;
	vm7 =	veq.s32 v6, $0x3  }
0x1f2: {  	v23 =	vnsel vm5, $0x0, v25;
	v5 =	vmax.f32 v5, v26;
	v50 =	vnsel vm14, $0x0, v20  }
0x1f3: {  	v47 =	vnsel vm14, $0x0, v51;
	v51 =	vnsel vm9, $0x0, v53;
	v53 =	vnsel vm9, $0x0, v54  }
0x1f4: {  	vm9 =	vnez.u8 v55;
	vm13 =	vmor vm3, vm2;
	v5 =	vmax.f32 v5, v35  }
0x1f5: {  	vm7 =	vmor vm8, vm7;
	v59 =	vmax.f32 v23, v17;
	v5 =	vmax.f32 v5, v36  }
0x1f6: {  	v54 =	vimm.s32 $0x0;
	v31 =	vmax.f32 v31, v50;
	v5 =	vmax.f32 v5, v37  }
0x1f7: {  	vm9 =	vmor vm9, vm0;
	v32 =	vnsel vm13, $0x0, v34;
	v5 =	vmax.f32 v5, v48  }
0x1f8: {  	v38 =	vnsel vm13, $0x0, v52;
	vm11 =	veq.f32 v37, v5;
	vm12 =	veq.f32 v36, v5  }
0x1f9: {  	vm15 =	veq.f32 v35, v5;
	vm1 =	veq.f32 v26, v5;
	vm6 =	veq.f32 v16, v5  }
0x1fa: {  	vm4 =	veq.f32 v43, v5;
	vm10 =	vne.f32 v41, v5;
	v5 =	vmax.f32 v31, v47  }
0x1fb: {  	v40 =	vmovc v18;
	v18 =	vmovc v52;
	v39 =	vnsel vm7, $0x0, v60;
	v52 =	vnsel vm7, $0x0, v61;
	v5 =	vmax.f32 v5, v51  }
0x1fc: {  	v24 =	vnsel vm9, $0x0, v30;
	v63 =	vsel vm11, $0x6, v0;
	v5 =	vmax.f32 v5, v53  }
0x1fd: {  	v31 =	vnsel vm9, $0x0, v33;
	v45 =	vsel vm12, $0x5, v63;
	vm8 =	veq.f32 v51, v5  }
0x1fe: {  	vm14 =	veq.f32 v47, v5;
	vm2 =	veq.f32 v50, v5;
	vm3 =	veq.f32 v49, v5  }
0x1ff: {  	vm0 =	veq.f32 v46, v5;
	vm9 =	vne.f32 v44, v5;
	v45 =	vsel vm15, $0x4, v45  }
0x200: {  	v1 =	vsel vm0, $0xFFFFFFFF, v57;
	vm0 =	veq.f32 v42, v5;
	v5 =	vmax.f32 v59, v24  }
0x201: {  	vm12 =	vmand vm10, vm4;
	v45 =	vsel vm1, $0x3, v45;
	v5 =	vmax.f32 v5, v31  }
0x202: {  	v57 =	vsel vm12, $0xFF800000, v43;
	v59 =	vnsel vm10, $0xFF800000, v41;
	v5 =	vmax.f32 v5, v32  }
0x203: {  	v43 =	vimm.s32 $0x0;
	[tilespmem:$0x1FD70] =	vst v1;
	v1 =	vsel vm8, $0x6, v0;
	v5 =	vmax.f32 v5, v38  }
0x204: {  	v45 =	vsel vm6, $0x2, v45;
	v6 =	vsel vm14, $0x5, v1;
	v5 =	vmax.f32 v5, v39  }
0x205: {  	v6 =	vsel vm2, $0x4, v6;
	v4 =	vmax.f32 v5, v52;
	v5 =	vsel vm4, $0x1, v45  }
0x206: {  	v6 =	vsel vm3, $0x3, v6;
	v45 =	vimm.s32 $0x0;
	v63 =	vnsel vm10, $0x0, v5  }
0x207: {  	v5 =	vmax.f32 v59, v57;
	vm4 =	veq.f32 v39, v4;
	vm1 =	veq.s32 v63, $0x3  }
0x208: {  	v1 =	vsel vm1, $0xFFFFFFFF, v45;
	v45 =	vsel vm1, $0xFF800000, v26;
	vm1 =	veq.s32 v63, $0x4  }
0x209: {  	vm5 =	veq.f32 v38, v4;
	vm13 =	veq.s32 v63, $0x2;
	[tilespmem:$0x1FD50] =	vst v1;
	v1 =	vsel vm1, $0xFFFFFFFF, v54  }
0x20a: {  	v41 =	vsel vm1, $0xFF800000, v35;
	vm1 =	veq.s32 v63, $0x5;
	v35 =	vimm.s32 $0x0  }
0x20b: {  	vm6 =	veq.f32 v24, v4;
	v55 =	vsel vm13, $0xFF800000, v16;
	[tilespmem:$0x1FD60] =	vst v1;
	v1 =	vsel vm1, $0xFFFFFFFF, v35  }
0x20c: {  	v35 =	vsel vm1, $0xFF800000, v36;
	vm1 =	veq.s32 v63, $0x6;
	v36 =	vimm.s32 $0x0  }
0x20d: {  	v16 =	vmax.f32 v5, v55;
	[tilespmem:$0x1FFD0] =	vst v1;
	v1 =	vsel vm1, $0xFFFFFFFF, v36;
	v36 =	vsel vm1, $0xFF800000, v37;
	v37 =	vld [tilespmem:$0x1FD70]  }
0x20e: {  	vm7 =	veq.f32 v17, v4;
	vm11 =	vne.f32 v23, v4;
	v16 =	vmax.f32 v16, v45  }
0x20f: {  	v26 =	vsel vm4, $0x6, v0;
	vm4 =	veq.f32 v32, v4;
	v16 =	vmax.f32 v16, v41  }
0x210: {  	v26 =	vsel vm5, $0x5, v26;
	vm5 =	veq.f32 v31, v4;
	v4 =	vmax.f32 v16, v35  }
0x211: {  	vm3 =	veq.s32 v63, $0x7;
	v16 =	vsel vm4, $0x4, v26;
	v4 =	vmax.f32 v4, v36  }
0x212: {  	v26 =	vsel vm5, $0x3, v16;
	v16 =	vmax.f32 v4, v48;
	vm1 =	vnez.u8 v37  }
0x213: {  	vm14 =	vmand vm11, vm7;
	v16 =	vsel vm3, v4, v16;
	v4 =	vsel vm1, $0x2, v6  }
0x214: {  	v6 =	vsel vm6, $0x2, v26;
	v4 =	vsel vm0, $0x1, v4;
	vm0 =	vmand vm9, vm0  }
0x215: {  	[tilespmem:$0x1FFA0] =	vst v1;
	v6 =	vsel vm7, $0x1, v6;
	v37 =	vnsel vm9, $0x0, v4;
	v1 =	vsel vm0, $0xFFFFFFFF, v43  }
0x216: {  	v42 =	vsel vm0, $0xFF800000, v42;
	[tilespmem:$0x1FD80] =	vst v1;
	vm0 =	veq.s32 v37, $0x2;
	v1 =	vimm.s32 $0x0  }
0x217: {  	v54 =	vnsel vm11, $0xFF800000, v23;
	v48 =	vnsel vm11, $0x0, v6;
	v1 =	vsel vm0, $0xFFFFFFFF, v1  }
0x218: {  	v23 =	vsel vm0, $0xFF800000, v46;
	vm0 =	veq.s32 v48, $0x2;
	v46 =	vimm.s32 $0x0  }
0x219: {  	v43 =	vsel vm14, $0xFF800000, v17;
	[tilespmem:$0x1FD90] =	vst v1;
	v1 =	vsel vm0, $0xFFFFFFFF, v46  }
0x21a: {  	v24 =	vsel vm0, $0xFF800000, v24;
	[tilespmem:$0x1FDA0] =	vst v1;
	v1 =	vmax.f32 v54, v43  }
0x21b: {  	vm1 =	veq.s32 v37, $0x3;
	v46 =	vmax.f32 v1, v24;
	v1 =	vimm.s32 $0x0  }
0x21c: {  	v1 =	vsel vm1, $0xFFFFFFFF, v1  }
0x21d: {  	vm0 =	veq.s32 v48, $0x3;
	[tilespmem:$0x1FDB0] =	vst v1;
	v1 =	vimm.s32 $0x0  }
0x21e: {  	v1 =	vsel vm0, $0xFFFFFFFF, v1  }
0x21f: {  	v31 =	vsel vm0, $0xFF800000, v31;
	vm0 =	veq.s32 v37, $0x4;
	[tilespmem:$0x1FDC0] =	vst v1;
	v1 =	vimm.s32 $0x0  }
0x220: {  	v1 =	vsel vm0, $0xFFFFFFFF, v1  }
0x221: {  	v50 =	vsel vm0, $0xFF800000, v50;
	vm0 =	veq.s32 v48, $0x4;
	[tilespmem:$0x1FDD0] =	vst v1;
	v1 =	vimm.s32 $0x0  }
0x222: {  	v1 =	vsel vm0, $0xFFFFFFFF, v1  }
0x223: {  	v49 =	vsel vm1, $0xFF800000, v49;
	vm1 =	veq.s32 v37, $0x5;
	[tilespmem:$0x1FDE0] =	vst v1;
	v1 =	vimm.s32 $0x0  }
0x224: {  	v1 =	vsel vm1, $0xFFFFFFFF, v1  }
0x225: {  	v26 =	vpop (erf);
	v32 =	vsel vm0, $0xFF800000, v32;
	vm0 =	veq.s32 v48, $0x5;
	[tilespmem:$0x1FFE0] =	vst v1;
	v1 =	vimm.s32 $0x0  }
0x226: {  	s13 =	sand.u32 $0x180, s2;
	v5 =	vmul.f32 v26, v3;
	v1 =	vsel vm0, $0xFFFFFFFF, v1  }
0x227: {  	s18 =	sor.u32 s13, s18;
	v44 =	vnsel vm9, $0xFF800000, v44;
	v46 =	vmax.f32 v46, v31;
	[tilespmem:$0x1FFF0] =	vst v1  }
0x228: {  	v6 =	vmax.f32 v44, v42;
	v46 =	vmax.f32 v46, v32;
	v38 =	vsel vm0, $0xFF800000, v38;
	[tilespmem:s18+$0x1200] =	vst v5  }
0x229: {  	v6 =	vmax.f32 v6, v23;
	v5 =	vmax.f32 v46, v38;
	v46 =	vld [tilespmem:$0x1FDF0]  }
0x22a: {  	v6 =	vmax.f32 v6, v49  }
0x22b: {  	v47 =	vsel vm1, $0xFF800000, v47;
	v6 =	vmax.f32 v6, v50;
	vm0 =	veq.s32 v37, $0x6  }
0x22c: {  	v6 =	vmax.f32 v6, v47;
	v51 =	vsel vm0, $0xFF800000, v51  }
0x22d: {  	v6 =	vmax.f32 v6, v51  }
0x22e: {  	vm1 =	veq.s32 v37, $0x7;
	v1 =	vmax.f32 v6, v53;
	[tilespmem:s18+$0x1600] =	vst v46  }
0x22f: {  	v46 =	vsel vm1, v6, v1;
	v1 =	vld [tilespmem:$0x1FE00];
	_ =	sdelay $0x4  }
0x230: {  	[tilespmem:s18+$0x1400] =	vst v1  }
0x231: {  	v1 =	vld [tilespmem:$0x1FE10];
	_ =	sdelay $0x3  }
0x232: {  	s1 =	sor.u32 s13, s17  }
0x233: {  	[tilespmem:s1+$0x1400] =	vst v1  }
0x234: {  	v1 =	vld [tilespmem:$0x1FE20]  }
0x235: {  	vm8 =	veq.s32 v48, $0x6  }
0x236: {  	v39 =	vsel vm8, $0xFF800000, v39  }
0x237: {  	v5 =	vmax.f32 v5, v39  }
0x238: {  	s0 =	sor.u32 s13, s19;
	v6 =	vmax.f32 v5, v52;
	vm1 =	veq.s32 v48, $0x7  }
0x239: {  	v53 =	vsel vm1, v5, v6;
	vm1 =	veq.f32 v36, v16;
	[tilespmem:s0+$0x1400] =	vst v1  }
0x23a: {  	v36 =	vsel vm1, $0x6, v0;
	vm1 =	veq.f32 v35, v16;
	v1 =	vld [tilespmem:$0x1FE30]  }
0x23b: {  	v35 =	vsel vm1, $0x5, v36;
	v36 =	vld [tilespmem:$0x1FE50]  }
0x23c: {  	v3 =	vld [tilespmem:$0x1FE40];
	_ =	sdelay $0x3  }
0x23d: {  	[tilespmem:s1+$0x1600] =	vst v36  }
0x23e: {  	v4 =	vadd.f32 v1, v3;
	v1 =	vld [tilespmem:$0x1FE60];
	_ =	sdelay $0x4  }
0x23f: {  	[tilespmem:s0+$0x1600] =	vst v1  }
0x240: {  	v1 =	vld [tilespmem:$0x1FE70]  }
0x241: {  	v52 =	vpop (erf)  }
0x242: {  	v5 =	vpop (erf)  }
0x243: {  	v17 =	vpop (erf)  }
0x244: {  	v26 =	vmul.f32 v26, v2;
	v36 =	vpop (erf)  }
0x245: {  	s21 =	sand.u32 $0x180, s21;
	v1 =	vmul.f32 v36, v1  }
0x246: {  	s22 =	sor.u32 s21, s22;
	v2 =	vld [tilespmem:$0x1FE80];
	[tilespmem:s18+$0x1000] =	vst v26  }
0x247: {  	vm3 =	veq.f32 v39, v53;
	vm1 =	veq.f32 v51, v46;
	[tilespmem:s22+$0x1200] =	vst v1  }
0x248: {  	v51 =	vsel vm3, $0x6, v0;
	v39 =	vsel vm1, $0x6, v0;
	v0 =	vld [tilespmem:$0x1FE90];
	_ =	sdelay $0x4  }
0x249: {  	[tilespmem:s22+$0x1600] =	vst v0  }
0x24a: {  	v1 =	vld [tilespmem:$0x1FEA0];
	_ =	sdelay $0x4  }
0x24b: {  	[tilespmem:s22+$0x1400] =	vst v1  }
0x24c: {  	v1 =	vld [tilespmem:$0x1FEB0];
	_ =	sdelay $0x3  }
0x24d: {  	s18 =	sor.u32 s21, s23  }
0x24e: {  	[tilespmem:s18+$0x1400] =	vst v1  }
0x24f: {  	v1 =	vld [tilespmem:$0x1FEC0];
	_ =	sdelay $0x3  }
0x250: {  	s17 =	sor.u32 s21, s24  }
0x251: {  	[tilespmem:s17+$0x1400] =	vst v1  }
0x252: {  	v1 =	vld [tilespmem:$0x1FED0];
	_ =	sdelay $0x4  }
0x253: {  	[tilespmem:s18+$0x1600] =	vst v1  }
0x254: {  	v1 =	vld [tilespmem:$0x1FEE0];
	_ =	sdelay $0x3  }
0x255: {  	v6 =	vadd.f32 v15, v11  }
0x256: {  	[tilespmem:s17+$0x1600] =	vst v1  }
0x257: {  	(erf) = vrcp.f32 v6;
	v6 =	vadd.f32 v13, v2;
	v1 =	vld [tilespmem:$0x1FEF0]  }
0x258: {  	(erf) = vrcp.f32 v4;
	v26 =	vadd.f32 v62, v7  }
0x259: {  	vm3 =	veq.f32 v38, v53;
	vm1 =	veq.f32 v47, v46;
	(erf) = vrcp.f32 v6  }
0x25a: {  	v47 =	vsel vm1, $0x5, v39;
	vm1 =	veq.f32 v41, v16;
	(erf) = vrcp.f32 v26  }
0x25b: {  	v26 =	vsel vm1, $0x4, v35;
	vm1 =	veq.f32 v50, v46;
	v50 =	vmul.f32 v52, v9  }
0x25c: {  	v6 =	vsel vm3, $0x5, v51;
	v51 =	vmul.f32 v52, v1  }
0x25d: {  	[tilespmem:s1+$0x1000] =	vst v50  }
0x25e: {  	v52 =	vmul.f32 v5, v8;
	[tilespmem:s1+$0x1200] =	vst v51  }
0x25f: {  	v39 =	vld [tilespmem:$0x1FF00]  }
0x260: {  	v0 =	vsel vm1, $0x4, v47;
	vm1 =	veq.f32 v45, v16;
	v45 =	vld [tilespmem:$0x1FF10];
	[tilespmem:s0+$0x1000] =	vst v52  }
0x261: {  	vm3 =	veq.f32 v32, v53;
	v26 =	vsel vm1, $0x3, v26;
	vm1 =	veq.f32 v49, v46;
	v47 =	vld [tilespmem:$0x1FF20]  }
0x262: {  	v6 =	vsel vm3, $0x4, v6;
	v0 =	vsel vm1, $0x3, v0;
	vm1 =	veq.f32 v31, v53;
	v49 =	vld [tilespmem:$0x1FF30]  }
0x263: {  	v31 =	vsel vm1, $0x3, v6;
	vm1 =	veq.f32 v55, v16  }
0x264: {  	v26 =	vsel vm1, $0x2, v26;
	vm1 =	veq.f32 v23, v46;
	v41 =	vmul.f32 v5, v39  }
0x265: {  	v23 =	vsel vm1, $0x2, v0;
	vm1 =	veq.f32 v24, v53;
	v36 =	vmul.f32 v36, v45  }
0x266: {  	v24 =	vsel vm1, $0x2, v31;
	v31 =	vmul.f32 v17, v47;
	[tilespmem:s0+$0x1200] =	vst v41  }
0x267: {  	v17 =	vmul.f32 v17, v49;
	[tilespmem:s22+$0x1000] =	vst v36  }
0x268: {  	[tilespmem:s14+$0x0] =	vst v31  }
0x269: {  	[tilespmem:s31+$0x0] =	vst v17  }
0x26a: {  	v52 =	vld [tilespmem:$0x1FF40];
	_ =	sdelay $0x3  }
0x26b: {  	s15 =	simm.s32 $0x1400  }
0x26c: {  	[tilespmem:s15+$0x0] =	vst v52  }
0x26d: {  	v0 =	vld [tilespmem:$0x1FF50];
	_ =	sdelay $0x2  }
0x26e: {  	v6 =	vpop (erf)  }
0x26f: {  	v5 =	vpop (erf);
	s15 =	simm.s32 $0x1600  }
0x270: {  	v50 =	vpop (erf);
	[tilespmem:s15+$0x0] =	vst v0  }
0x271: {  	v32 =	vpop (erf);
	v0 =	vld [tilespmem:$0x1FF60]  }
0x272: {  	vm3 =	vne.f32 v54, v53;
	v51 =	vmul.f32 v32, v62;
	s31 =	sand.u32 $0x180, s25;
	v54 =	vld [tilespmem:$0x1FF70]  }
0x273: {  	vm7 =	veq.f32 v57, v16;
	s26 =	sor.u32 s31, s26;
	v55 =	vld [tilespmem:$0x1FF80]  }
0x274: {  	vm4 =	vne.f32 v59, v16;
	vm5 =	veq.f32 v43, v53;
	v26 =	vsel vm7, $0x1, v26;
	v3 =	vld [tilespmem:$0x1FF90];
	[tilespmem:s26+$0x1200] =	vst v51  }
0x275: {  	vm6 =	veq.f32 v42, v46;
	v4 =	vmovc v7;
	v42 =	vnsel vm4, $0x0, v26;
	v17 =	vsel vm5, $0x1, v24;
	v7 =	vld [tilespmem:$0x1FFA0];
	[tilespmem:s26+$0x1600] =	vst v58  }
0x276: {  	vm1 =	veq.s32 v42, $0x6;
	v39 =	vnsel vm3, $0x0, v17;
	[tilespmem:s26+$0x1400] =	vst v56  }
0x277: {  	s29 =	sor.u32 s31, s28;
	v58 =	vld [tilespmem:$0x1FFB0];
	v16 =	vsel vm1, v0, v54;
	vm1 =	veq.s32 v39, $0x6  }
0x278: {  	v57 =	vsel vm8, v60, v61;
	v26 =	vsel vm1, v60, v61;
	v60 =	vld [tilespmem:$0x1FFC0];
	[tilespmem:s29+$0x1400] =	vst v63  }
0x279: {  	vm15 =	vne.f32 v44, v46;
	v23 =	vsel vm6, $0x1, v23;
	s28 =	sor.u32 s31, s30;
	v61 =	vld [tilespmem:$0x1FFD0]  }
0x27a: {  	v41 =	vnsel vm15, $0x0, v23;
	v62 =	vld [tilespmem:$0x1FFE0];
	[tilespmem:s28+$0x1400] =	vst v37  }
0x27b: {  	vm2 =	vmmov vm9;
	vm9 =	veq.s32 v41, $0x6;
	v63 =	vld [tilespmem:$0x1FFF0]  }
0x27c: {  	v17 =	vsel vm9, v55, v3;
	v24 =	vsel vm0, v55, v3;
	vm9 =	vnez.u8 v7  }
0x27d: {  	vm0 =	veq.s32 v42, $0x5;
	vm1 =	veq.s32 v41, $0x5;
	v23 =	vsel vm9, v0, v54  }
0x27e: {  	v59 =	vsel vm0, v58, v16;
	v17 =	vsel vm1, v60, v17;
	vm1 =	vnez.u8 v61  }
0x27f: {  	vm0 =	veq.s32 v39, $0x5;
	v23 =	vsel vm1, v58, v23;
	vm1 =	vnez.u8 v62  }
0x280: {  	v31 =	vsel vm0, v18, v26;
	vm0 =	vnez.u8 v63;
	v24 =	vsel vm1, v60, v24  }
0x281: {  	s24 =	simm.s32 $0x8;
	s19 =	simm.s32 $0x1000;
	s23 =	simm.s32 $0x1200;
	[tilespmem:s29+$0x1600] =	vst v42;
	v16 =	vsel vm0, v18, v57;
	vm0 =	veq.s32 v42, $0x4;
	vm1 =	veq.s32 v41, $0x4  }
0x282: {  	s21 =	simm.s32 $0x1600;
	s22 =	simm.s32 $0x1400;
	s25 =	simm.s32 $0xC0;
	[tilespmem:s28+$0x1600] =	vst v41;
	v26 =	vsel vm0, v21, v59;
	v17 =	vsel vm1, v20, v17;
	vm1 =	veq.s32 v39, $0x4  }
.LBB2_2:
0x283: {  	v0 =	vld [tilespmem:$0x1FD60]  }
0x284: {  	v61 =	vld [tilespmem:$0x1FDD0]  }
0x285: {  	v62 =	vld [tilespmem:$0x1FDE0]  }
0x286: {  	v63 =	vld [tilespmem:$0x1FD50]  }
0x287: {  	v35 =	vld [tilespmem:$0x1FDC0]  }
0x288: {  	s1 =	sand.u32 $0x40, s25;
	s20 =	sadd.s32 $0x200, s20;
	v36 =	vld [tilespmem:$0x1FD90]  }
0x289: {  	v37 =	vld [tilespmem:$0x1FDA0];
	s12 =	sand.u32 $0xC00, s20;
	s30 =	sor.u32 $0x30, s1;
	vm9 =	vnez.u8 v0  }
0x28a: {  	v51 =	vld [tilespmem:$0x1FE40];
	s14 =	sor.u32 s30, s12;
	v21 =	vsel vm9, v21, v23;
	vm9 =	vnez.u8 v61  }
0x28b: {  	v31 =	vsel vm1, v34, v31;
	v47 =	vld [tilespmem:s14+$0x300];
	v23 =	vsel vm9, v20, v24;
	vm9 =	vnez.u8 v62  }
0x28c: {  	vm0 =	veq.s32 v42, $0x3;
	vm1 =	veq.s32 v41, $0x3;
	v16 =	vsel vm9, v34, v16;
	v34 =	vld [tilespmem:$0x1FDB0]  }
0x28d: {  	vm8 =	veq.s32 v39, $0x3;
	v17 =	vsel vm1, v19, v17;
	vm1 =	veq.s32 v41, $0x2;
	v49 =	vld [tilespmem:s14+$0x380]  }
0x28e: {  	vm5 =	vmand vm3, vm5;
	v53 =	vld [tilespmem:$0x1FE30];
	v17 =	vsel vm1, v22, v17;
	vm1 =	vmand vm15, vm6  }
0x28f: {  	v54 =	vld [tilespmem:$0x1FE80];
	v17 =	vsel vm1, v29, v17;
	vm6 =	vnez.u8 v36;
	v24 =	vsel vm0, v40, v26  }
0x290: {  	v44 =	vld [tilespmem:s14+$0x200];
	v26 =	vsel vm8, v33, v31;
	vm0 =	veq.s32 v42, $0x2;
	vm9 =	vnez.u8 v63  }
0x291: {  	v46 =	vld [tilespmem:s14+$0x280];
	vm8 =	veq.s32 v39, $0x2;
	v18 =	vsel vm9, v40, v21;
	vm9 =	vnez.u8 v34  }
0x292: {  	v20 =	vsel vm15, v17, v27;
	v31 =	vadd.f32 v49, v47;
	v40 =	vld [tilespmem:$0x1FD80];
	v21 =	vsel vm9, v19, v23  }
0x293: {  	v38 =	vld [tilespmem:s14+$0x0];
	vm9 =	vnez.u8 v35;
	v23 =	vsel vm0, v14, v24;
	v24 =	vsel vm8, v30, v26  }
0x294: {  	v43 =	vld [tilespmem:s14+$0x180];
	vm0 =	vmand vm4, vm7;
	v14 =	vsel vm13, v14, v18;
	v26 =	vmul.f32 v6, v11  }
0x295: {  	s31 =	sor.u32 $0x10, s1;
	v42 =	vld [tilespmem:s14+$0x100];
	v6 =	vmul.f32 v6, v15;
	v16 =	vsel vm9, v33, v16;
	v18 =	vsel vm6, v22, v21  }
0x296: {  	s13 =	sor.u32 s31, s12;
	v41 =	vld [tilespmem:s14+$0x80];
	vm6 =	vnez.u8 v37;
	v21 =	vsel vm0, v12, v23;
	v22 =	vsel vm5, v28, v24  }
0x297: {  	v1 =	vld [tilespmem:s13+$0x0];
	v12 =	vsel vm12, v12, v14;
	vm0 =	vnez.u8 v40;
	v33 =	vadd.f32 v46, v44  }
0x298: {  	v2 =	vld [tilespmem:s13+$0x100];
	v16 =	vsel vm6, v30, v16;
	v14 =	vsel vm0, v29, v18;
	v18 =	vsel vm4, v21, v10  }
0x299: {  	v22 =	vsel vm3, v22, v25;
	v17 =	vsel vm10, v12, v10;
	v12 =	vld [tilespmem:s13+$0x80];
	v16 =	vsel vm14, v28, v16  }
0x29a: {  	v30 =	vadd.f32 v43, v42;
	v21 =	vld [tilespmem:s13+$0x200];
	v24 =	vsel vm11, v16, v25;
	v16 =	vadd.f32 v18, v17  }
0x29b: {  	v10 =	vimm.s32 $0x3;
	v19 =	vsel vm2, v14, v27;
	v3 =	vmovc v18;
	v28 =	vadd.f32 v41, v38;
	v18 =	vld [tilespmem:s13+$0x180];
	[tilespmem:s18+$0x1000] =	vst v26  }
0x29c: {  	v23 =	vadd.f32 v20, v19;
	(erf) = vrcp.f32 v16;
	v16 =	vld [tilespmem:s13+$0x280];
	[tilespmem:s18+$0x1200] =	vst v6;
	v6 =	vmul.f32 v5, v51  }
0x29d: {  	s0 =	sor.u32 $0x20, s1;
	v45 =	vmovc v17;
	v26 =	vmul.f32 v32, v4;
	v4 =	vmul.f32 v50, v13;
	v25 =	vadd.f32 v22, v24;
	v17 =	vld [tilespmem:s13+$0x300]  }
0x29e: {  	s1 =	sor.u32 s1, s12;
	s12 =	sor.u32 s0, s12;
	v52 =	vmovc v19;
	v19 =	vmax.f32 v28, v30;
	v5 =	vmul.f32 v5, v53;
	(erf) = vrcp.f32 v23;
	v23 =	vld [tilespmem:s13+$0x380];
	[tilespmem:s17+$0x1000] =	vst v6  }
0x29f: {  	v55 =	vmovc v20;
	[tilespmem:$0x1FAC0] =	vst v45;
	v45 =	vadd.f32 v12, v1;
	(erf) = vrcp.f32 v25;
	v25 =	vmax.f32 v33, v31;
	v27 =	vld [tilespmem:s12+$0x0]  }
0x2a0: {  	v6 =	vmul.f32 v50, v54;
	v25 =	vmax.f32 v19, v25;
	v32 =	vadd.f32 v18, v2;
	v29 =	vld [tilespmem:s12+$0x80];
	[tilespmem:s17+$0x1200] =	vst v5  }
0x2a1: {  	v56 =	vmovc v22;
	vm0 =	veq.f32 v33, v25;
	vm2 =	veq.f32 v30, v25;
	v22 =	vld [tilespmem:s12+$0x100];
	vm1 =	veq.f32 v28, v25  }
0x2a2: {  	s19 =	sadd.s32 $0x40, s19;
	[tilespmem:$0x1FE30] =	vst v55;
	v19 =	vld [tilespmem:s12+$0x180];
	vm3 =	vne.f32 v28, v25;
	v15 =	vsel vm0, $0x2, v10;
	v50 =	vadd.f32 v16, v21  }
0x2a3: {  	s23 =	sadd.s32 $0x40, s23;
	[tilespmem:s19+$0x0] =	vst v6;
	v20 =	vld [tilespmem:s12+$0x200];
	v40 =	vmax.f32 v45, v32;
	v35 =	vsel vm1, $0xFF800000, v28;
	v5 =	vsel vm2, $0x1, v15  }
0x2a4: {  	v34 =	vmovc v48;
	v57 =	vmovc v24;
	v24 =	vld [tilespmem:s12+$0x280];
	[tilespmem:s23+$0x0] =	vst v4;
	vm3 =	vmand vm3, vm2;
	v4 =	vimm.s32 $0x0;
	v58 =	vsel vm1, $0x0, v5  }
0x2a5: {  	v60 =	vld [tilespmem:$0x1FBF0];
	[tilespmem:$0x1FBF0] =	vst v34;
	v51 =	vadd.f32 v23, v17;
	v30 =	vsel vm3, $0xFF800000, v30;
	vm0 =	veq.s32 v58, $0x2  }
0x2a6: {  	[tilespmem:$0x1FAB0] =	vst v3;
	v3 =	vmax.f32 v35, v30;
	v5 =	vimm.s32 $0x7;
	v36 =	vsel vm0, $0xFF800000, v33  }
0x2a7: {  	v63 =	vld [tilespmem:$0x1FC40];
	[tilespmem:$0x1FE40] =	vst v52;
	vm2 =	veq.s32 v58, $0x3;
	v52 =	vadd.f32 v29, v27;
	v61 =	vmax.f32 v36, v31  }
0x2a8: {  	v37 =	vmovc v39;
	v53 =	vmax.f32 v50, v51;
	v48 =	vadd.f32 v19, v22;
	v28 =	vsel vm2, v33, v61  }
0x2a9: {  	[tilespmem:$0x1FC40] =	vst v37;
	v39 =	vadd.f32 v24, v20;
	v15 =	vmax.f32 v40, v53;
	v33 =	vmax.f32 v3, v28  }
0x2aa: {  	s22 =	sadd.s32 $0x40, s22;
	[tilespmem:s26+$0x1000] =	vst v26;
	vm10 =	veq.f32 v32, v15;
	v7 =	vmax.f32 v52, v48;
	vm4 =	veq.f32 v36, v33  }
0x2ab: {  	s21 =	sadd.s32 $0x40, s21;
	v26 =	vld [tilespmem:s12+$0x300];
	[tilespmem:s22+$0x0] =	vst v60;
	v6 =	vpop (erf);
	vm5 =	veq.f32 v30, v33;
	vm6 =	veq.f32 v35, v33;
	v54 =	vsel vm4, $0x2, v10  }
0x2ac: {  	[tilespmem:s21+$0x0] =	vst v63;
	v59 =	vpop (erf);
	v31 =	vld [tilespmem:s12+$0x380];
	vm4 =	vne.f32 v35, v33;
	vm1 =	vmor vm1, vm6;
	v55 =	vsel vm5, $0x1, v54  }
0x2ad: {  	v25 =	vld [tilespmem:s1+$0x0];
	[tilespmem:$0x1FA80] =	vst v59;
	v59 =	vnsel vm1, $0x0, v38;
	vm4 =	vmand vm4, vm5;
	v60 =	vnsel vm1, $0x0, v41  }
0x2ae: {  	[tilespmem:$0x1FE80] =	vst v57;
	v34 =	vld [tilespmem:s1+$0x200];
	v62 =	vpop (erf);
	v57 =	vsel vm6, $0x0, v55;
	vm1 =	vmor vm3, vm4;
	v37 =	vmax.f32 v59, v60  }
0x2af: {  	[tilespmem:$0x1FA90] =	vst v62;
	v30 =	vld [tilespmem:s1+$0x100];
	v61 =	vnsel vm1, $0x0, v42;
	vm3 =	veq.s32 v57, $0x2;
	v62 =	vnsel vm1, $0x0, v43  }
0x2b0: {  	v33 =	vld [tilespmem:s1+$0x180];
	vm1 =	veq.s32 v57, $0x3;
	vm0 =	vmor vm0, vm3;
	v54 =	vmax.f32 v37, v61  }
0x2b1: {  	v28 =	vld [tilespmem:s1+$0x80];
	v57 =	vadd.f32 v31, v26;
	v63 =	vnsel vm0, $0x0, v44;
	v58 =	vmax.f32 v54, v62  }
0x2b2: {  	v36 =	vld [tilespmem:s1+$0x300];
	v0 =	vnsel vm0, $0x0, v46;
	vm0 =	vmor vm2, vm1;
	v54 =	vmax.f32 v58, v63  }
0x2b3: {  	v14 =	vmovc v1;
	v35 =	vld [tilespmem:s1+$0x280];
	vm3 =	veq.f32 v50, v15;
	v1 =	vnsel vm0, $0x0, v47;
	v54 =	vmax.f32 v54, v0  }
0x2b4: {  	[tilespmem:$0x1FA10] =	vst v2;
	v37 =	vld [tilespmem:s1+$0x380];
	v9 =	vmax.f32 v39, v57;
	v2 =	vnsel vm0, $0x0, v49;
	v55 =	vmax.f32 v54, v1  }
0x2b5: {  	[tilespmem:$0x1FAA0] =	vst v56;
	v56 =	vadd.f32 v33, v30;
	v7 =	vmax.f32 v7, v9;
	v3 =	vmax.f32 v55, v2  }
0x2b6: {  	vm7 =	veq.f32 v39, v7;
	vm12 =	veq.f32 v48, v7;
	vm0 =	veq.f32 v1, v3  }
0x2b7: {  	v54 =	vadd.f32 v28, v25;
	v8 =	vsel vm0, $0x6, v5;
	vm0 =	veq.f32 v0, v3  }
0x2b8: {  	v55 =	vadd.f32 v35, v34;
	v8 =	vsel vm0, $0x5, v8;
	vm0 =	veq.f32 v63, v3  }
0x2b9: {  	v58 =	vadd.f32 v37, v36;
	v8 =	vsel vm0, $0x4, v8;
	vm0 =	veq.f32 v62, v3  }
0x2ba: {  	v11 =	vmax.f32 v54, v56;
	v8 =	vsel vm0, $0x3, v8;
	vm0 =	veq.f32 v61, v3  }
0x2bb: {  	vm1 =	veq.f32 v60, v3;
	v13 =	vmax.f32 v55, v58;
	v8 =	vsel vm0, $0x2, v8  }
0x2bc: {  	vm0 =	vne.f32 v59, v3;
	v3 =	vmax.f32 v11, v13;
	v8 =	vsel vm1, $0x1, v8  }
0x2bd: {  	vm1 =	vmand vm0, vm1;
	vm5 =	veq.f32 v55, v3;
	vm9 =	veq.f32 v56, v3  }
0x2be: {  	v53 =	vnsel vm0, $0x0, v8;
	v8 =	vnsel vm0, $0xFF800000, v59;
	v9 =	vsel vm1, $0xFF800000, v60  }
0x2bf: {  	v60 =	vsel vm3, $0x2, v10;
	vm2 =	veq.s32 v53, $0x2;
	vm4 =	veq.s32 v53, $0x3  }
0x2c0: {  	v13 =	vmax.f32 v8, v9;
	vm6 =	veq.s32 v53, $0x4;
	v11 =	vsel vm2, $0xFF800000, v61  }
0x2c1: {  	vm8 =	veq.s32 v53, $0x5;
	v40 =	vsel vm4, $0xFF800000, v62;
	v13 =	vmax.f32 v13, v11  }
0x2c2: {  	vm11 =	veq.s32 v53, $0x6;
	v59 =	vsel vm6, $0xFF800000, v63;
	v13 =	vmax.f32 v13, v40  }
0x2c3: {  	vm3 =	veq.s32 v53, $0x7;
	v0 =	vsel vm8, $0xFF800000, v0;
	v13 =	vmax.f32 v13, v59  }
0x2c4: {  	v60 =	vsel vm10, $0x1, v60;
	v1 =	vsel vm11, $0xFF800000, v1;
	v13 =	vmax.f32 v13, v0  }
0x2c5: {  	v61 =	vsel vm5, $0x2, v10;
	v62 =	vsel vm7, $0x2, v10;
	v13 =	vmax.f32 v13, v1  }
0x2c6: {  	vm7 =	veq.f32 v54, v3;
	v63 =	vsel vm9, $0x1, v61;
	v2 =	vmax.f32 v13, v2  }
0x2c7: {  	v2 =	vsel vm3, v13, v2;
	v13 =	vsel vm12, $0x1, v62;
	v62 =	vimm.s32 $0x0  }
0x2c8: {  	vm3 =	veq.f32 v1, v2;
	vm5 =	veq.f32 v11, v2;
	vm14 =	veq.f32 v9, v2  }
0x2c9: {  	v9 =	vsel vm11, v47, v49;
	v1 =	vsel vm3, $0x6, v5;
	vm3 =	veq.f32 v0, v2  }
0x2ca: {  	v9 =	vsel vm8, v46, v9;
	v1 =	vsel vm3, $0x5, v1;
	vm3 =	veq.f32 v59, v2  }
0x2cb: {  	vm13 =	vne.f32 v8, v2;
	v9 =	vsel vm6, v44, v9;
	v1 =	vsel vm3, $0x4, v1  }
0x2cc: {  	vm3 =	veq.f32 v40, v2;
	v2 =	vsel vm7, $0x0, v63;
	v9 =	vsel vm4, v43, v9  }
0x2cd: {  	v1 =	vsel vm3, $0x3, v1;
	vm3 =	veq.f32 v45, v15;
	v9 =	vsel vm2, v42, v9  }
0x2ce: {  	vm2 =	vmand vm13, vm14;
	v4 =	vsel vm3, $0xFFFFFFFF, v4;
	v1 =	vsel vm5, $0x2, v1  }
0x2cf: {  	vm5 =	veq.f32 v52, v7;
	v0 =	vsel vm3, $0x0, v60;
	v9 =	vsel vm1, v41, v9  }
0x2d0: {  	v60 =	vimm.s32 $0x0;
	vm1 =	vne.f32 v54, v3;
	v1 =	vsel vm14, $0x1, v1  }
0x2d1: {  	v8 =	vsel vm5, $0x0, v13;
	vm3 =	veq.s32 v0, $0x2;
	v13 =	vsel vm0, v9, v38  }
0x2d2: {  	vm0 =	vne.f32 v45, v15;
	vm9 =	vmand vm1, vm9;
	v1 =	vnsel vm13, $0x0, v1  }
0x2d3: {  	vm1 =	veq.s32 v0, $0x3;
	v3 =	vsel vm3, $0xFF800000, v50;
	vm15 =	veq.s32 v1, $0x6  }
0x2d4: {  	vm11 =	veq.s32 v1, $0x5;
	vm8 =	veq.s32 v1, $0x4;
	vm6 =	veq.s32 v1, $0x3  }
0x2d5: {  	vm4 =	veq.s32 v1, $0x2;
	v15 =	vmax.f32 v3, v51;
	v51 =	vsel vm9, $0xFF800000, v56  }
0x2d6: {  	v11 =	vsel vm15, v47, v49;
	v49 =	vimm.s32 $0x0;
	v47 =	vimm.s32 $0x0  }
0x2d7: {  	v15 =	vsel vm1, v50, v15;
	v11 =	vsel vm11, v46, v11;
	v59 =	vsel vm3, $0xFFFFFFFF, v49  }
0x2d8: {  	vm11 =	vmand vm0, vm10;
	vm0 =	veq.s32 v2, $0x3;
	v46 =	vimm.s32 $0x0  }
0x2d9: {  	v0 =	vsel vm1, $0xFFFFFFFF, v47;
	v49 =	vimm.s32 $0x0;
	v11 =	vsel vm8, v44, v11  }
0x2da: {  	v56 =	vsel vm11, $0xFF800000, v32;
	vm8 =	vmmov vm5;
	v11 =	vsel vm6, v43, v11  }
0x2db: {  	vm6 =	veq.s32 v2, $0x2;
	v11 =	vsel vm4, v42, v11;
	vm4 =	veq.s32 v8, $0x2  }
0x2dc: {  	v2 =	vsel vm0, $0xFFFFFFFF, v46;
	v11 =	vsel vm2, v41, v11;
	v61 =	vsel vm4, $0xFFFFFFFF, v60  }
0x2dd: {  	vm2 =	vne.f32 v52, v7;
	v7 =	vsel vm6, $0xFF800000, v55;
	v60 =	vsel vm5, $0xFF800000, v52  }
0x2de: {  	[tilespmem:$0x1FA00] =	vst v4;
	v9 =	vsel vm13, v11, v38;
	v11 =	vsel vm6, $0xFFFFFFFF, v62;
	vm10 =	vmand vm2, vm12  }
0x2df: {  	v4 =	vmovc v13;
	vm2 =	veq.s32 v8, $0x3;
	[tilespmem:$0x1FA40] =	vst v11;
	v11 =	vadd.f32 v9, v13;
	v13 =	vsel vm4, $0xFF800000, v39  }
0x2e0: {  	v8 =	vsel vm10, $0xFF800000, v48;
	v63 =	vmax.f32 v13, v57;
	v57 =	vsel vm7, $0xFF800000, v54  }
0x2e1: {  	v48 =	vmax.f32 v60, v8;
	(erf) = vrcp.f32 v11;
	v11 =	vmax.f32 v7, v58;
	v58 =	vld [tilespmem:$0x1FA00]  }
0x2e2: {  	[tilespmem:$0x1FA30] =	vst v61;
	v61 =	vsel vm2, v39, v63;
	v62 =	vmax.f32 v57, v51;
	v11 =	vsel vm0, v55, v11  }
0x2e3: {  	[tilespmem:$0x1FA50] =	vst v0;
	v0 =	vsel vm2, $0xFFFFFFFF, v49;
	v49 =	vmax.f32 v48, v61;
	v11 =	vmax.f32 v62, v11  }
0x2e4: {  	vm14 =	veq.f32 v13, v49;
	vm15 =	veq.f32 v8, v49;
	vm5 =	vne.f32 v60, v49  }
0x2e5: {  	vm3 =	veq.f32 v60, v49;
	vm12 =	veq.f32 v7, v11;
	v7 =	vsel vm14, $0x2, v10  }
0x2e6: {  	vm2 =	veq.f32 v51, v11;
	vm4 =	vne.f32 v57, v11;
	vm6 =	vnez.u8 v58  }
0x2e7: {  	s26 =	sand.u32 $0x180, s25;
	[tilespmem:$0x1FA20] =	vst v59;
	vm1 =	veq.f32 v57, v11;
	vm5 =	vmand vm5, vm15;
	v59 =	vsel vm6, $0xFF800000, v45  }
0x2e8: {  	s18 =	smov.u32 s29;
	s29 =	sor.u32 s26, s31;
	v13 =	vsel vm12, $0x2, v10;
	v51 =	vsel vm15, $0x1, v7;
	v63 =	vmax.f32 v59, v56  }
0x2e9: {  	s17 =	smov.u32 s28;
	s28 =	sor.u32 s26, s0;
	s26 =	sor.u32 s26, s30;
	vm7 =	vmor vm7, vm1;
	v52 =	vsel vm2, $0x1, v13;
	v15 =	vmax.f32 v63, v15  }
0x2ea: {  	[tilespmem:s26+$0x1600] =	vst v1;
	vm2 =	vmand vm4, vm2;
	v1 =	vsel vm3, $0x0, v51;
	v32 =	vpop (erf);
	vm14 =	veq.f32 v59, v15  }
0x2eb: {  	vm13 =	veq.f32 v3, v15;
	v9 =	vmul.f32 v32, v9;
	vm0 =	vmor vm6, vm14  }
0x2ec: {  	[tilespmem:$0x1FA70] =	vst v2;
	v41 =	vnsel vm7, $0x0, v25;
	v3 =	vsel vm13, $0x2, v10;
	v10 =	vmovc v14;
	v38 =	vnsel vm0, $0x0, v14;
	v14 =	vld [tilespmem:$0x1FA10]  }
0x2ed: {  	v57 =	vnsel vm7, $0x0, v28;
	v2 =	vsel vm1, $0x0, v52;
	vm1 =	vmor vm10, vm5;
	[tilespmem:s26+$0x1200] =	vst v9;
	v9 =	vld [tilespmem:$0x1FA20]  }
0x2ee: {  	vm2 =	vmor vm9, vm2;
	vm4 =	veq.s32 v1, $0x2;
	vm12 =	veq.f32 v56, v15  }
0x2ef: {  	v8 =	vmax.f32 v41, v57;
	vm13 =	vne.f32 v59, v15;
	v50 =	vsel vm12, $0x1, v3  }
0x2f0: {  	vm12 =	vmand vm13, vm12;
	vm13 =	vmor vm8, vm3;
	v45 =	vnsel vm0, $0x0, v12  }
0x2f1: {  	[tilespmem:$0x1FA60] =	vst v0;
	v0 =	vsel vm14, $0x0, v50;
	vm0 =	vmor vm11, vm12;
	v3 =	vmax.f32 v38, v45  }
0x2f2: {  	vm3 =	veq.s32 v0, $0x2;
	v60 =	vnsel vm0, $0x0, v14;
	vm6 =	vnez.u8 v9  }
0x2f3: {  	v61 =	vnsel vm0, $0x0, v18;
	v3 =	vmax.f32 v3, v60;
	vm3 =	vmor vm6, vm3  }
0x2f4: {  	vm5 =	veq.s32 v2, $0x2;
	v9 =	vld [tilespmem:$0x1FA30];
	v3 =	vmax.f32 v3, v61;
	v43 =	vnsel vm3, $0x0, v21  }
0x2f5: {  	v58 =	vnsel vm2, $0x0, v30;
	vm0 =	veq.s32 v0, $0x3;
	v0 =	vmax.f32 v3, v43;
	v3 =	vld [tilespmem:$0x1FA50]  }
0x2f6: {  	v62 =	vnsel vm1, $0x0, v19;
	v63 =	vnsel vm1, $0x0, v22;
	v8 =	vmax.f32 v8, v58  }
0x2f7: {  	[tilespmem:s26+$0x1400] =	vst v53;
	vm1 =	veq.s32 v1, $0x3;
	v39 =	vnsel vm13, $0x0, v27;
	v53 =	vnsel vm13, $0x0, v29  }
0x2f8: {  	v59 =	vnsel vm2, $0x0, v33;
	vm2 =	veq.s32 v2, $0x3;
	v7 =	vmax.f32 v39, v53  }
0x2f9: {  	v15 =	vimm.s32 $0x0;
	v7 =	vmax.f32 v7, v63;
	vm6 =	vnez.u8 v9;
	v9 =	vld [tilespmem:$0x1FA40]  }
0x2fa: {  	v50 =	vnsel vm3, $0x0, v16;
	vm4 =	vmor vm6, vm4;
	vm3 =	vnez.u8 v3;
	v3 =	vld [tilespmem:$0x1FA60]  }
0x2fb: {  	v8 =	vmax.f32 v8, v59;
	v7 =	vmax.f32 v7, v62;
	v44 =	vnsel vm4, $0x0, v20  }
0x2fc: {  	v40 =	vmovc v18;
	v18 =	vimm.s32 $0x0;
	v54 =	vnsel vm4, $0x0, v24;
	v1 =	vmax.f32 v7, v44  }
0x2fd: {  	v0 =	vmax.f32 v0, v50;
	vm0 =	vmor vm3, vm0;
	v1 =	vmax.f32 v1, v54  }
0x2fe: {  	vm6 =	vnez.u8 v9;
	v51 =	vnsel vm0, $0x0, v17;
	v52 =	vnsel vm0, $0x0, v23  }
0x2ff: {  	vm5 =	vmor vm6, vm5;
	v0 =	vmax.f32 v0, v51;
	vm3 =	vnez.u8 v3;
	v3 =	vld [tilespmem:$0x1FA70]  }
0x300: {  	v42 =	vnsel vm5, $0x0, v34;
	v46 =	vnsel vm5, $0x0, v35;
	vm1 =	vmor vm3, vm1  }
0x301: {  	v0 =	vmax.f32 v0, v52;
	v2 =	vmax.f32 v8, v42;
	v55 =	vnsel vm1, $0x0, v26  }
0x302: {  	vm0 =	veq.f32 v51, v0;
	v56 =	vnsel vm1, $0x0, v31;
	v1 =	vmax.f32 v1, v55  }
0x303: {  	vm14 =	vne.f32 v38, v0;
	v2 =	vmax.f32 v2, v46;
	v1 =	vmax.f32 v1, v56  }
0x304: {  	vm3 =	vnez.u8 v3;
	vm1 =	veq.f32 v55, v1;
	v3 =	vsel vm0, $0x6, v5  }
0x305: {  	vm0 =	veq.f32 v50, v0;
	vm8 =	vne.f32 v39, v1;
	vm2 =	vmor vm3, vm2  }
0x306: {  	v7 =	vsel vm1, $0x6, v5;
	vm1 =	veq.f32 v54, v1;
	v3 =	vsel vm0, $0x5, v3  }
0x307: {  	vm0 =	veq.f32 v43, v0;
	v9 =	vnsel vm8, $0xFF800000, v39;
	v47 =	vnsel vm2, $0x0, v36  }
0x308: {  	v49 =	vnsel vm2, $0x0, v37;
	v7 =	vsel vm1, $0x5, v7;
	vm1 =	veq.f32 v44, v1  }
0x309: {  	v3 =	vsel vm0, $0x4, v3;
	vm0 =	veq.f32 v61, v0;
	v2 =	vmax.f32 v2, v47  }
0x30a: {  	v7 =	vsel vm1, $0x4, v7;
	vm1 =	veq.f32 v62, v1;
	v3 =	vsel vm0, $0x3, v3  }
0x30b: {  	vm0 =	veq.f32 v60, v0;
	v2 =	vmax.f32 v2, v49;
	v7 =	vsel vm1, $0x3, v7  }
0x30c: {  	vm1 =	veq.f32 v63, v1;
	v3 =	vsel vm0, $0x2, v3;
	vm0 =	veq.f32 v45, v0  }
0x30d: {  	vm2 =	veq.f32 v47, v2;
	v7 =	vsel vm1, $0x2, v7;
	vm1 =	veq.f32 v53, v1  }
0x30e: {  	vm3 =	veq.f32 v57, v2;
	v3 =	vsel vm0, $0x1, v3;
	vm11 =	vne.f32 v41, v2  }
0x30f: {  	vm4 =	vmand vm14, vm0;
	v8 =	vsel vm2, $0x6, v5;
	vm2 =	veq.f32 v46, v2  }
0x310: {  	v7 =	vsel vm1, $0x1, v7;
	v0 =	vnsel vm14, $0x0, v3;
	vm0 =	vmand vm8, vm1  }
0x311: {  	v3 =	vimm.s32 $0x0;
	v11 =	vnsel vm11, $0xFF800000, v41;
	v8 =	vsel vm2, $0x5, v8  }
0x312: {  	vm2 =	veq.f32 v42, v2;
	v1 =	vnsel vm8, $0x0, v7;
	vm5 =	veq.s32 v0, $0x2  }
0x313: {  	v3 =	vsel vm0, $0xFFFFFFFF, v3;
	vm9 =	veq.s32 v0, $0x5;
	vm10 =	veq.s32 v0, $0x6  }
0x314: {  	v8 =	vsel vm2, $0x4, v8;
	vm2 =	veq.f32 v59, v2;
	vm1 =	veq.s32 v1, $0x2  }
0x315: {  	[tilespmem:$0x1FD80] =	vst v3;
	v3 =	vsel vm0, $0xFF800000, v53;
	v13 =	vsel vm5, $0xFF800000, v60;
	vm0 =	veq.s32 v0, $0x3  }
0x316: {  	v50 =	vsel vm9, $0xFF800000, v50;
	v51 =	vsel vm10, $0xFF800000, v51;
	v8 =	vsel vm2, $0x3, v8  }
0x317: {  	vm2 =	veq.f32 v58, v2;
	v2 =	vimm.s32 $0x0;
	v15 =	vsel vm1, $0xFFFFFFFF, v15  }
0x318: {  	v8 =	vsel vm2, $0x2, v8;
	v2 =	vsel vm4, $0xFFFFFFFF, v2;
	[tilespmem:$0x1FD90] =	vst v15;
	v15 =	vsel vm1, $0xFF800000, v63  }
0x319: {  	v8 =	vsel vm3, $0x1, v8;
	[tilespmem:$0x1FAD0] =	vst v2;
	vm3 =	vmand vm11, vm3;
	v2 =	vimm.s32 $0x0  }
0x31a: {  	v48 =	vnsel vm11, $0x0, v8;
	v2 =	vsel vm3, $0xFFFFFFFF, v2;
	v7 =	vsel vm3, $0xFF800000, v57  }
0x31b: {  	v8 =	vnsel vm14, $0xFF800000, v38;
	v57 =	vmax.f32 v9, v3;
	vm3 =	veq.s32 v0, $0x7  }
0x31c: {  	[tilespmem:$0x1FB10] =	vst v2;
	v2 =	vimm.s32 $0x0;
	vm2 =	veq.s32 v48, $0x2;
	vm1 =	veq.s32 v48, $0x3  }
0x31d: {  	v41 =	vmax.f32 v57, v15;
	v2 =	vsel vm5, $0xFFFFFFFF, v2;
	v18 =	vsel vm2, $0xFFFFFFFF, v18  }
0x31e: {  	v38 =	vsel vm2, $0xFF800000, v58;
	vm2 =	veq.s32 v1, $0x3;
	v58 =	vmax.f32 v11, v7  }
0x31f: {  	vm5 =	veq.s32 v48, $0x7;
	[tilespmem:$0x1FAE0] =	vst v2;
	v2 =	vsel vm4, $0xFF800000, v45;
	v45 =	vmax.f32 v58, v38  }
0x320: {  	[tilespmem:$0x1FDA0] =	vst v18;
	v18 =	vimm.s32 $0x0;
	v60 =	vsel vm2, $0xFF800000, v62;
	vm4 =	veq.s32 v1, $0x7  }
0x321: {  	v53 =	vmax.f32 v8, v2;
	v18 =	vsel vm0, $0xFFFFFFFF, v18;
	v41 =	vmax.f32 v41, v60  }
0x322: {  	v39 =	vmax.f32 v53, v13;
	[tilespmem:$0x1FD50] =	vst v18;
	v53 =	vsel vm0, $0xFF800000, v61;
	v18 =	vimm.s32 $0x0  }
0x323: {  	v61 =	vsel vm1, $0xFF800000, v59;
	vm0 =	veq.s32 v0, $0x4;
	v18 =	vsel vm2, $0xFFFFFFFF, v18  }
0x324: {  	vm2 =	veq.s32 v1, $0x4;
	v39 =	vmax.f32 v39, v53;
	[tilespmem:$0x1FDB0] =	vst v18;
	v18 =	vimm.s32 $0x0  }
0x325: {  	v45 =	vmax.f32 v45, v61;
	v43 =	vsel vm0, $0xFF800000, v43;
	v18 =	vsel vm1, $0xFFFFFFFF, v18  }
0x326: {  	v44 =	vsel vm2, $0xFF800000, v44;
	v39 =	vmax.f32 v39, v43;
	[tilespmem:$0x1FDC0] =	vst v18;
	v18 =	vimm.s32 $0x0  }
0x327: {  	vm1 =	veq.s32 v48, $0x4;
	v41 =	vmax.f32 v41, v44;
	v18 =	vsel vm0, $0xFFFFFFFF, v18  }
0x328: {  	v39 =	vmax.f32 v39, v50;
	v42 =	vsel vm1, $0xFF800000, v42;
	[tilespmem:$0x1FD60] =	vst v18;
	v18 =	vimm.s32 $0x0  }
0x329: {  	v39 =	vmax.f32 v39, v51;
	vm0 =	veq.s32 v48, $0x5;
	v18 =	vsel vm2, $0xFFFFFFFF, v18  }
0x32a: {  	v45 =	vmax.f32 v45, v42;
	v52 =	vmax.f32 v39, v52;
	[tilespmem:$0x1FDD0] =	vst v18;
	v18 =	vimm.s32 $0x0  }
0x32b: {  	[tilespmem:s29+$0x1400] =	vst v0;
	v46 =	vsel vm0, $0xFF800000, v46;
	v0 =	vsel vm3, v39, v52;
	v18 =	vsel vm1, $0xFFFFFFFF, v18  }
0x32c: {  	v45 =	vmax.f32 v45, v46;
	vm1 =	veq.s32 v1, $0x5;
	[tilespmem:$0x1FDE0] =	vst v18;
	v18 =	vimm.s32 $0x0  }
0x32d: {  	v54 =	vsel vm1, $0xFF800000, v54;
	v18 =	vsel vm1, $0xFFFFFFFF, v18;
	vm1 =	veq.s32 v48, $0x6  }
0x32e: {  	vm3 =	veq.f32 v51, v0;
	[tilespmem:$0x1FAF0] =	vst v18;
	v18 =	vimm.s32 $0x0;
	v47 =	vsel vm1, $0xFF800000, v47  }
0x32f: {  	v18 =	vsel vm0, $0xFFFFFFFF, v18;
	vm0 =	veq.s32 v1, $0x6;
	v45 =	vmax.f32 v45, v47  }
0x330: {  	v41 =	vmax.f32 v41, v54;
	v55 =	vsel vm0, $0xFF800000, v55;
	v49 =	vmax.f32 v45, v49  }
0x331: {  	vm7 =	veq.f32 v2, v0;
	v41 =	vmax.f32 v41, v55;
	v62 =	vsel vm5, v45, v49  }
0x332: {  	v63 =	vsel vm3, $0x6, v5;
	v56 =	vmax.f32 v41, v56;
	vm5 =	veq.f32 v47, v62  }
0x333: {  	[tilespmem:s28+$0x1400] =	vst v1;
	vm3 =	veq.f32 v50, v0;
	v1 =	vsel vm4, v41, v56;
	v47 =	vsel vm5, $0x6, v5  }
0x334: {  	vm5 =	veq.f32 v46, v62;
	v41 =	vsel vm3, $0x5, v63;
	vm3 =	veq.f32 v43, v0  }
0x335: {  	vm4 =	veq.f32 v55, v1;
	v46 =	vsel vm5, $0x5, v47;
	vm5 =	veq.f32 v42, v62  }
0x336: {  	v41 =	vsel vm3, $0x4, v41;
	vm3 =	veq.f32 v53, v0;
	vm6 =	veq.f32 v3, v1  }
0x337: {  	vm15 =	vne.f32 v9, v1;
	v52 =	vsel vm4, $0x6, v5;
	vm4 =	veq.f32 v54, v1  }
0x338: {  	v56 =	vsel vm5, $0x4, v46;
	vm5 =	veq.f32 v61, v62;
	v41 =	vsel vm3, $0x3, v41  }
0x339: {  	vm3 =	veq.f32 v13, v0;
	v45 =	vsel vm4, $0x5, v52;
	vm4 =	veq.f32 v44, v1  }
0x33a: {  	v43 =	vsel vm5, $0x3, v56;
	vm5 =	veq.f32 v38, v62;
	v13 =	vsel vm3, $0x2, v41  }
0x33b: {  	vm3 =	vne.f32 v11, v62;
	v55 =	vsel vm4, $0x4, v45;
	vm4 =	veq.f32 v60, v1  }
0x33c: {  	v61 =	vld [tilespmem:$0x1FAF0];
	v38 =	vsel vm5, $0x2, v43;
	vm5 =	veq.f32 v7, v62;
	v2 =	vsel vm7, $0x1, v13  }
0x33d: {  	v42 =	vsel vm4, $0x3, v55;
	vm4 =	veq.f32 v15, v1;
	v7 =	vsel vm5, $0x1, v38  }
0x33e: {  	v15 =	vsel vm4, $0x2, v42;
	vm4 =	vne.f32 v8, v0;
	v39 =	vnsel vm3, $0x0, v7  }
0x33f: {  	v7 =	vsel vm0, v26, v31;
	v8 =	vsel vm1, v36, v37;
	v3 =	vsel vm6, $0x1, v15  }
0x340: {  	v60 =	vld [tilespmem:$0x1FAE0];
	v42 =	vnsel vm4, $0x0, v2;
	vm13 =	veq.s32 v39, $0x6;
	vm1 =	veq.s32 v39, $0x4  }
0x341: {  	[tilespmem:$0x1FB00] =	vst v18;
	v9 =	vld [tilespmem:$0x1FAD0];
	vm0 =	vnez.u8 v61;
	v41 =	vnsel vm15, $0x0, v3;
	vm12 =	veq.s32 v42, $0x6  }
0x342: {  	v62 =	vld [tilespmem:$0x1FB00];
	v59 =	vsel vm13, v36, v37;
	vm13 =	veq.s32 v39, $0x5;
	v3 =	vsel vm10, v17, v23  }
0x343: {  	s24 =	sadd.s32 $0x4, s24;
	vm2 =	veq.s32 v41, $0x6;
	v57 =	vsel vm12, v17, v23;
	vm12 =	veq.s32 v41, $0x5  }
0x344: {  	p0 =	slt.u32 s24, $0x1C;
	v63 =	vld [tilespmem:$0x1FB10];
	vm10 =	veq.s32 v41, $0x4;
	v23 =	vsel vm9, v16, v3;
	v58 =	vsel vm2, v26, v31  }
.Ltmp0:
0x345: {  	v50 =	vld [tilespmem:$0x1FA90];
	vm2 =	veq.s32 v42, $0x5;
	v31 =	vsel vm13, v35, v59;
	vm13 =	vnez.u8 v60;
	(pc) =	sbr.rel @p0 .LBB2_2-.Ltmp0, $4  }
0x346: {  	v5 =	vld [tilespmem:$0x1FA80];
	v0 =	vsel vm2, v16, v57;
	v1 =	vsel vm12, v24, v58;
	vm12 =	vnez.u8 v9  }
0x347: {  	v11 =	vld [tilespmem:$0x1FAC0];
	vm2 =	veq.s32 v42, $0x4;
	v24 =	vsel vm0, v24, v7;
	vm0 =	vnez.u8 v62  }
0x348: {  	v13 =	vld [tilespmem:$0x1FAA0];
	[tilespmem:s29+$0x1600] =	vst v42;
	v16 =	vsel vm0, v35, v8;
	v26 =	vsel vm2, v21, v0;
	vm2 =	vmmov vm8  }
0x349: {  	s25 =	sadd.s32 $0x40, s25;
	v15 =	vld [tilespmem:$0x1FAB0];
	[tilespmem:s28+$0x1600] =	vst v41;
	v17 =	vsel vm10, v20, v1;
	vm10 =	vmmov vm14;
	vm14 =	vnez.u8 v63  }
0x34a: {  	v1 =	vld [tilespmem:$0x1FD60]  }
0x34b: {  	v2 =	vld [tilespmem:$0x1FDD0]  }
0x34c: {  	v3 =	vld [tilespmem:$0x1FDE0];
	_ =	sdelay $0x1  }
0x34d: {  	v9 =	vld [tilespmem:$0x1FD50]  }
0x34e: {  	v47 =	vld [tilespmem:$0x1FDB0]  }
0x34f: {  	v0 =	vsel vm1, v34, v31;
	v49 =	vld [tilespmem:$0x1FDC0];
	v56 =	vmul.f32 v6, v11;
	vm0 =	vnez.u8 v1  }
0x350: {  	vm8 =	vnez.u8 v2;
	vm9 =	vnez.u8 v3;
	v1 =	vsel vm0, v21, v23  }
0x351: {  	v51 =	vld [tilespmem:$0x1FD90];
	v2 =	vsel vm8, v20, v24;
	v3 =	vsel vm9, v34, v16;
	vm8 =	veq.s32 v42, $0x3  }
0x352: {  	v52 =	vld [tilespmem:$0x1FDA0];
	vm9 =	veq.s32 v41, $0x3;
	v7 =	vsel vm8, v40, v26;
	vm8 =	veq.s32 v39, $0x3  }
0x353: {  	v53 =	vld [tilespmem:$0x1FD80];
	[tilespmem:s18+$0x1000] =	vst v56;
	v8 =	vsel vm9, v19, v17;
	vm9 =	vnez.u8 v9;
	v0 =	vsel vm8, v33, v0  }
0x354: {  	v9 =	vld [tilespmem:$0x1FE40];
	v1 =	vsel vm9, v40, v1;
	vm8 =	vnez.u8 v47;
	vm9 =	vnez.u8 v49  }
0x355: {  	v58 =	vmul.f32 v6, v15;
	v2 =	vsel vm8, v19, v2;
	v3 =	vsel vm9, v33, v3  }
0x356: {  	vm8 =	veq.s32 v42, $0x2;
	vm9 =	veq.s32 v41, $0x2;
	v1 =	vsel vm13, v14, v1  }
0x357: {  	vm13 =	vnez.u8 v52;
	v7 =	vsel vm8, v14, v7;
	vm8 =	veq.s32 v39, $0x2  }
0x358: {  	v8 =	vsel vm9, v22, v8;
	vm9 =	vnez.u8 v51;
	v3 =	vsel vm13, v30, v3  }
0x359: {  	[tilespmem:s18+$0x1200] =	vst v58;
	v1 =	vsel vm12, v12, v1;
	vm12 =	vnez.u8 v53;
	v9 =	vmul.f32 v5, v9  }
0x35a: {  	v6 =	vld [tilespmem:$0x1FE30];
	vm13 =	vmand vm3, vm5;
	v0 =	vsel vm8, v30, v0;
	vm8 =	vmand vm4, vm7  }
0x35b: {  	v2 =	vsel vm9, v22, v2;
	vm9 =	vmand vm15, vm6;
	v7 =	vsel vm8, v12, v7;
	[tilespmem:s17+$0x1000] =	vst v9  }
0x35c: {  	v1 =	vsel vm10, v1, v10;
	v3 =	vsel vm14, v28, v3;
	v7 =	vsel vm4, v7, v10;
	v9 =	vld [tilespmem:$0x1FE80]  }
0x35d: {  	v8 =	vsel vm9, v29, v8;
	v2 =	vsel vm12, v29, v2;
	v54 =	vadd.f32 v7, v1  }
0x35e: {  	v0 =	vsel vm13, v28, v0;
	v8 =	vsel vm15, v8, v27;
	v2 =	vsel vm2, v2, v27  }
0x35f: {  	v59 =	vmul.f32 v5, v6;
	v55 =	vadd.f32 v8, v2;
	(erf) = vrcp.f32 v54  }
0x360: {  	v60 =	vmul.f32 v32, v4;
	v3 =	vsel vm11, v3, v25;
	v0 =	vsel vm3, v0, v25  }
0x361: {  	v57 =	vadd.f32 v0, v3;
	[tilespmem:s17+$0x1200] =	vst v59;
	(erf) = vrcp.f32 v55;
	v9 =	vmul.f32 v50, v9  }
0x362: {  	s0 =	sadd.s32 $0x40, s19;
	v61 =	vmul.f32 v50, v13;
	[tilespmem:s26+$0x1000] =	vst v60  }
0x363: {  	s1 =	sadd.s32 $0x40, s23;
	(erf) = vrcp.f32 v57;
	[tilespmem:s0+$0x0] =	vst v9  }
0x364: {  	[tilespmem:s1+$0x0] =	vst v61  }
0x365: {  	v4 =	vld [tilespmem:$0x1FBF0];
	_ =	sdelay $0x2  }
0x366: {  	v62 =	vpop (erf)  }
0x367: {  	s12 =	sadd.s32 $0x40, s22;
	v1 =	vmul.f32 v62, v1  }
0x368: {  	v63 =	vpop (erf);
	v5 =	vmul.f32 v62, v7;
	[tilespmem:s12+$0x0] =	vst v4  }
0x369: {  	v6 =	vld [tilespmem:$0x1FC40];
	[tilespmem:s29+$0x1000] =	vst v1;
	v1 =	vmul.f32 v63, v2  }
0x36a: {  	v4 =	vmul.f32 v63, v8;
	v2 =	vpop (erf);
	[tilespmem:s29+$0x1200] =	vst v5  }
0x36b: {  	[tilespmem:s28+$0x1000] =	vst v1;
	v1 =	vmul.f32 v2, v3  }
0x36c: {  	s0 =	sadd.s32 $0x40, s0;
	[tilespmem:s28+$0x1200] =	vst v4  }
0x36d: {  	s13 =	sadd.s32 $0x40, s21;
	v0 =	vmul.f32 v2, v0;
	[tilespmem:s0+$0x0] =	vst v1  }
0x36e: {  	s26 =	sadd.s32 $0x40, s1;
	[tilespmem:s13+$0x0] =	vst v6  }
0x36f: {  	s28 =	sadd.s32 $0x40, s12;
	[tilespmem:s26+$0x0] =	vst v0  }
0x370: {  	s29 =	sadd.s32 $0x40, s13;
	[tilespmem:s28+$0x0] =	vst v48  }
0x371: {  	s14 =	simm.s32 $0x1000;
	[tilespmem:s29+$0x0] =	vst v39  }
0x372: {  	[hbm4b:s4+s10] =	stream.strided.scatter [tilespmem:s14], [sflag:$0x1], $0x200, s11, s10, $0x38;
	[tilespmem:$0x1800] =	vst v63  }
0x373: {  	_ =	swait.ge [sflag:s9], $0x200  }
0x374: {  	[sflag:s9] =	ssyncset.done $0x0  }
0x375: {  	s31 =	simm.s32 $0x1200;
	[sflag:s9] =	ssyncadd.s32 $0xFFFFFE00  }
0x376: {  	[hbm4b:s5+s10] =	stream.strided.scatter [tilespmem:s31], [sflag:$0x1], $0x200, s11, s10, $0x38;
	[tilespmem:$0x1800] =	vst v63  }
0x377: {  	_ =	swait.ge [sflag:s9], $0x200  }
0x378: {  	[sflag:s9] =	ssyncset.done $0x0  }
0x379: {  	s30 =	simm.s32 $0x1400;
	[sflag:s9] =	ssyncadd.s32 $0xFFFFFE00  }
0x37a: {  	[hbm4b:s6+s10] =	stream.strided.scatter [tilespmem:s30], [sflag:$0x1], $0x200, s11, s10, $0x38;
	[tilespmem:$0x1800] =	vst v63  }
0x37b: {  	s16 =	sadd.s32 $0x1, s16;
	_ =	swait.ge [sflag:s9], $0x200  }
0x37c: {  	p0 =	sne.s32 s16, s8;
	[sflag:s9] =	ssyncset.done $0x0  }
.Ltmp1:
0x37d: {  	[sflag:s9] =	ssyncadd.s32 $0xFFFFFE00;
	(pc) =	sbr.rel @p0 .LBB2_1-.Ltmp1, $4  }
0x37e: {  	[hbm4b:s7+s10] =	stream.strided.scatter [tilespmem:s15], [sflag:$0x1], $0x200, s11, s10, $0x38;
	[tilespmem:$0x1800] =	vst v63  }
0x37f: {  	_ =	swait.ge [sflag:s9], $0x200  }
0x380: {  	[sflag:s9] =	ssyncset.done $0x0  }
0x381: {  	v0 =	vimm.s32 $0x7;
	[sflag:s9] =	ssyncadd.s32 $0xFFFFFE00  }
0x382: {  	_ =	sfence.sel $0x180000  }
0x383: {  	[bflag:$0x0] =	sbarrier.arrive $0xFFFF  }
0x384: {  	_ =	strace $0x90000047  }
0x385: {  	s0 =	stileid.u32;
	[bflag:$0x2] =	sbarrier.arrive $0xFFFF  }
0x386: {  	p0 =	sne.s32 s0, $0x0;
	s0 =	rddreg [dreg:$0x3]  }
0x387: {  	s0 =	sadd.s32 @!p0 $0x100000, s0  }
0x388: {  	[sflag:s0] =	ssyncadd.tile.s32 @!p0 $0x1;
	_ =	shalt  }
.Lfunc_end2:
_tile_overlayer_lowered:
.L_overlay_start_2:
0x389: {  	(tag) =	ssettag $0x2  }
0x38a: {  	s0 =	rddreg [dreg:$0x0];
	s2 =	stileid.u32  }
0x38b: {  	s1 =	rddreg [dreg:$0x1];
	p0 =	sne.s32 s2, $0x0  }
0x38c: {  	s3 =	rddreg [dreg:$0x2];
	[bflag:$0x3] =	sbarrier.arrive $0xFFFF;
	s2 =	simm.s32 @!p0 $0x1C01  }
0x38d: {  	[timem:s3], [sflag:s2] =	dma.local @!p0 [hbm:s0], s1  }
0x38e: {  	s0 =	simm.s32 @!p0 $0x1  }
0x38f: {  	_ =	swait.ge @!p0 [sflag:s0], s1  }
0x390: {  	s1 =	ssub.s32 @!p0 $0x0, s1;
	[sflag:s0] =	ssyncset.done @!p0 $0x0  }
0x391: {  	[sflag:s0] =	ssyncadd.s32 @!p0 s1  }
0x392: {  	[bflag:$0x3] =	sbarrier.arrive $0xFFFF  }
0x393: {  	_ =	shalt  }

</sc_bundles>
